<compile_context>
chip_gen: v7x
topology: tpu7x:2x2x1
jax: 0.10.2.dev20260603
libtpu: 0.0.44.dev20260713+nightly
codegen_flags: <defaults>
</compile_context>

<pallas_src>
import functools

import jax
import jax.numpy as jnp
from jax import lax
from jax.experimental import pallas as pl
from jax.experimental.pallas import tpu as pltpu
from jax.experimental.pallas import tpu_sc as plsc

N_NODES = 10000
N_EDGES = 160000
IN_F = 256
OUT_F = 256
HALF = OUT_F // 2
CHUNK = 125
EDGES_PER_TILE = N_EDGES // 16
CHUNKS_PER_TILE = EDGES_PER_TILE // CHUNK
IDX_STAGES = 2
STAGE_CHUNKS = CHUNKS_PER_TILE // IDX_STAGES
N_SC = 2
N_SUB = 16
ROWS_PER_TILE = 624
TAIL_ROWS = N_NODES - N_SUB * ROWS_PER_TILE
ROW_BLK = 1000
N_ROW_BLKS = N_NODES // ROW_BLK



def _mm_body(h_ref, wh_ref, ng_ref, x_ref):
    r = jnp.dot(h_ref[...], wh_ref[...], preferred_element_type=jnp.float32)
    x_ref[0] = r[:, :HALF] * ng_ref[...]
    x_ref[1] = r[:, HALF:] * ng_ref[...]


def _matmul_one(h, wh, ng):
    x = pl.pallas_call(
        _mm_body,
        grid=(N_ROW_BLKS,),
        in_specs=[
            pl.BlockSpec((ROW_BLK, IN_F), lambda i: (i, 0)),
            pl.BlockSpec((IN_F, OUT_F), lambda i: (0, 0)),
            pl.BlockSpec((ROW_BLK, 1), lambda i: (i, 0)),
        ],
        out_specs=pl.BlockSpec((2, ROW_BLK, HALF), lambda i: (0, i, 0)),
        out_shape=jax.ShapeDtypeStruct((N_SC, N_NODES, HALF), jnp.float32),
    )(h, wh, ng)
    return x.reshape(N_SC * N_NODES, HALF)



_SC_MESH = plsc.VectorSubcoreMesh(core_axis_name="c", subcore_axis_name="s")


@functools.partial(
    pl.kernel,
    out_type=jax.ShapeDtypeStruct((N_SC * N_NODES, HALF), jnp.float32),
    mesh=_SC_MESH,
    scratch_types=[
        pltpu.VMEM_SHARED((N_NODES, HALF), jnp.float32),
        pltpu.VMEM((STAGE_CHUNKS, CHUNK), jnp.int32),
        pltpu.VMEM((STAGE_CHUNKS, CHUNK), jnp.int32),
        pltpu.VMEM((CHUNK, HALF), jnp.float32),
        pltpu.VMEM((CHUNK, HALF), jnp.float32),
        pltpu.SemaphoreType.DMA,
        pltpu.SemaphoreType.DMA,
    ],
)
def _prop_one(x_hbm, src_hbm, dst_hbm, zeros_hbm, out_hbm,
              accum, src_v, dst_v, rows_a, rows_b, sem_a, sem_b):
    c = lax.axis_index("c")
    s = lax.axis_index("s")
    row_base = s * ROWS_PER_TILE

    pltpu.sync_copy(zeros_hbm, accum.at[pl.ds(row_base, ROWS_PER_TILE)])

    @pl.when(s == N_SUB - 1)
    def _():
        pltpu.sync_copy(zeros_hbm.at[pl.ds(0, TAIL_ROWS)],
                        accum.at[pl.ds(N_SUB * ROWS_PER_TILE, TAIL_ROWS)])

    plsc.subcore_barrier()

    for hh in range(IDX_STAGES):
        pltpu.sync_copy(src_hbm.at[c, s, hh], src_v)
        pltpu.sync_copy(dst_hbm.at[s, hh], dst_v)
        pltpu.async_copy(x_hbm.at[src_v.at[0]], rows_a, sem_a)

        def pair_body(t, carry):
            k0 = 2 * t
            pltpu.make_async_copy(x_hbm.at[src_v.at[k0]], rows_a, sem_a).wait()
            pltpu.async_copy(x_hbm.at[src_v.at[k0 + 1]], rows_b, sem_b)
            pltpu.sync_copy(rows_a, accum.at[dst_v.at[k0]], add=True)
            pltpu.make_async_copy(x_hbm.at[src_v.at[k0 + 1]], rows_b,
                                  sem_b).wait()

            @pl.when(t < STAGE_CHUNKS // 2 - 1)
            def _():
                pltpu.async_copy(x_hbm.at[src_v.at[k0 + 2]], rows_a, sem_a)

            pltpu.sync_copy(rows_b, accum.at[dst_v.at[k0 + 1]], add=True)
            return carry

        lax.fori_loop(0, STAGE_CHUNKS // 2, pair_body, 0)

    plsc.subcore_barrier()
    pltpu.sync_copy(accum.at[pl.ds(row_base, ROWS_PER_TILE)],
                    out_hbm.at[pl.ds(c * N_NODES + row_base, ROWS_PER_TILE)])

    @pl.when(s == N_SUB - 1)
    def _():
        pltpu.sync_copy(
            accum.at[pl.ds(N_SUB * ROWS_PER_TILE, TAIL_ROWS)],
            out_hbm.at[pl.ds(c * N_NODES + N_SUB * ROWS_PER_TILE, TAIL_ROWS)])



def _cm_body(g0_ref, g1_ref, f0_ref, f1_ref, ng_ref, nf_ref,
             bh_ref, bs_ref, out_ref):
    g = jnp.concatenate([g0_ref[...], g1_ref[...]], axis=1) * ng_ref[...]
    f = jnp.concatenate([f0_ref[...], f1_ref[...]], axis=1) * nf_ref[...]
    out_ref[...] = jnp.maximum(g + f + bh_ref[...] + bs_ref[...], 0.0)


def _cm_call(aggg, aggf, ng, nf, bh2, bs2):
    return pl.pallas_call(
        _cm_body,
        grid=(N_ROW_BLKS,),
        in_specs=[
            pl.BlockSpec((ROW_BLK, HALF), lambda i: (i, 0)),
            pl.BlockSpec((ROW_BLK, HALF), lambda i: (N_ROW_BLKS + i, 0)),
            pl.BlockSpec((ROW_BLK, HALF), lambda i: (i, 0)),
            pl.BlockSpec((ROW_BLK, HALF), lambda i: (N_ROW_BLKS + i, 0)),
            pl.BlockSpec((ROW_BLK, 1), lambda i: (i, 0)),
            pl.BlockSpec((ROW_BLK, 1), lambda i: (i, 0)),
            pl.BlockSpec((1, OUT_F), lambda i: (0, 0)),
            pl.BlockSpec((1, OUT_F), lambda i: (0, 0)),
        ],
        out_specs=pl.BlockSpec((ROW_BLK, OUT_F), lambda i: (i, 0)),
        out_shape=jax.ShapeDtypeStruct((N_NODES, OUT_F), jnp.float32),
    )(aggg, aggg, aggf, aggf, ng, nf, bh2, bs2)


def kernel(h, s, edge_index_g, edge_index_f, norm_g, norm_f, wh, ws, bh, bs):
    eg = edge_index_g.astype(jnp.int32)
    ef = edge_index_f.astype(jnp.int32)
    srcg = jnp.stack([eg[0], eg[0] + N_NODES]).reshape(
        N_SC, N_SUB, IDX_STAGES, STAGE_CHUNKS, CHUNK)
    srcf = jnp.stack([ef[0], ef[0] + N_NODES]).reshape(
        N_SC, N_SUB, IDX_STAGES, STAGE_CHUNKS, CHUNK)
    dstg = eg[1].reshape(N_SUB, IDX_STAGES, STAGE_CHUNKS, CHUNK)
    dstf = ef[1].reshape(N_SUB, IDX_STAGES, STAGE_CHUNKS, CHUNK)
    zeros = jnp.zeros((ROWS_PER_TILE, HALF), jnp.float32)

    xg = _matmul_one(h, wh, norm_g)
    aggg = _prop_one(xg, srcg, dstg, zeros)
    xf = _matmul_one(s, ws, norm_f)
    aggf = _prop_one(xf, srcf, dstf, zeros)
    return _cm_call(aggg, aggf, norm_g, norm_f,
                    bh.reshape(1, OUT_F), bs.reshape(1, OUT_F))

# --- scband reference (transcript-rebuilt; emitter-appended) ---
"""Pipeline reference for scband-gcl-skip-28681791603390 (READ-ONLY COPY).

The authoritative reference and input builder live on the scoring server;
editing this copy changes nothing except your own understanding.
"""

import jax, jax.numpy as jnp
import numpy as np

N_NODES = 10000
N_EDGES = 160000
IN_FEATS = 256
OUT_FEATS = 256


def setup_inputs(seed: int = 0) -> dict:
    key = jax.random.key(seed)
    ks = jax.random.split(key, 10)
    h = jax.random.normal(ks[0], (N_NODES, IN_FEATS), dtype=jnp.float32)
    s = jax.random.normal(ks[1], (N_NODES, OUT_FEATS), dtype=jnp.float32)
    edge_index_g = jax.random.randint(ks[2], (2, N_EDGES), 0, N_NODES, dtype=jnp.int64)
    edge_index_f = jax.random.randint(ks[3], (2, N_EDGES), 0, N_NODES, dtype=jnp.int64)
    norm_g = jax.random.uniform(ks[4], (N_NODES, 1), dtype=jnp.float32)
    norm_f = jax.random.uniform(ks[5], (N_NODES, 1), dtype=jnp.float32)
    stdv1 = 1.0 / np.sqrt(OUT_FEATS)
    wh = jax.random.uniform(ks[6], (IN_FEATS, OUT_FEATS), dtype=jnp.float32, minval=-stdv1, maxval=stdv1)
    bh = jax.random.uniform(ks[7], (OUT_FEATS,), dtype=jnp.float32, minval=-stdv1, maxval=stdv1)
    stdv2 = 1.0 / np.sqrt(OUT_FEATS)
    ws = jax.random.uniform(ks[8], (OUT_FEATS, OUT_FEATS), dtype=jnp.float32, minval=-stdv2, maxval=stdv2)
    bs = jax.random.uniform(ks[9], (OUT_FEATS,), dtype=jnp.float32, minval=-stdv2, maxval=stdv2)
    return {"h": h, "s": s, "edge_index_g": edge_index_g, "edge_index_f": edge_index_f,
            "norm_g": norm_g, "norm_f": norm_f, "wh": wh, "ws": ws, "bh": bh, "bs": bs}


def _propagate(x, edge_index, norm):
    # x = x * norm; copy_src -> sum scatter over dst; then * norm again
    x = x * norm
    src = edge_index[0]
    dst = edge_index[1]
    msgs = jnp.take(x, src, axis=0)
    agg = jnp.zeros_like(x).at[dst].add(msgs)
    return agg * norm


def reference(h, s, edge_index_g, edge_index_f, norm_g, norm_f, wh, ws, bh, bs):
    # dropout p=0.0 -> identity
    h = jnp.matmul(h, wh)
    s = jnp.matmul(s, ws)
    h = _propagate(h, edge_index_g, norm_g)
    s = _propagate(s, edge_index_f, norm_f)
    h = h + bh
    s = s + bs
    h = h + s
    h = jax.nn.relu(h)
    return h

if __name__ == "__main__":
    import jax
    _d = setup_inputs()
    print(jax.jit(kernel)(*tuple(_d.values())))

</pallas_src>

<mosaic_0001>
#map = affine_map<(d0, d1) -> (0, 0)>
#map1 = affine_map<(d0, d1) -> (0, 0, 0, 0, 0)>
#map2 = affine_map<(d0, d1) -> (0, 0, 0, 0)>
module attributes {stable_mosaic.version = 14 : i64} {
  func.func @_prop_one(%arg0: i32, %arg1: i32, %arg2: memref<20000x128xf32, #tpu.memory_space<hbm>>, %arg3: memref<2x16x2x40x125xi32, #tpu.memory_space<hbm>>, %arg4: memref<16x2x40x125xi32, #tpu.memory_space<hbm>>, %arg5: memref<624x128xf32, #tpu.memory_space<hbm>>, %arg6: memref<20000x128xf32, #tpu.memory_space<hbm>>, %arg7: memref<10000x128xf32, #tpu.memory_space<vmem_shared>>, %arg8: memref<40x125xi32, #tpu.memory_space<vmem>>, %arg9: memref<40x125xi32, #tpu.memory_space<vmem>>, %arg10: memref<125x128xf32, #tpu.memory_space<vmem>>, %arg11: memref<125x128xf32, #tpu.memory_space<vmem>>, %arg12: memref<!tpu.dma_semaphore, #tpu.memory_space<semaphore_mem>>, %arg13: memref<!tpu.dma_semaphore, #tpu.memory_space<semaphore_mem>>) attributes {dimension_semantics = [#tpu.dimension_semantics<core_parallel>, #tpu.dimension_semantics<subcore_parallel>], iteration_bounds = array<i64: 2, 16>, scalar_prefetch = 0 : i64, scratch_operands = 7 : i64, tpu.core_type = #tpu.core_type<sc_vector_subcore>, window_params = [{transform_indices = #map}, {transform_indices = #map1}, {transform_indices = #map2}, {transform_indices = #map}, {transform_indices = #map}]} {
    %mul3A = arith.constant 624 : i32
    %mul3A_0 = arith.muli %arg1, %mul3A : i32
    "tpu.region"() ({
      %run_scoped3A_38 = tpu.sem_alloc : memref<!tpu.dma_semaphore, #tpu.memory_space<semaphore_mem>>
      %dma_start3A_39 = arith.constant 0 : i32
      %dma_start3A_40 = tpu.memref_slice %arg7[%mul3A_0, %dma_start3A_39] : memref<10000x128xf32, #tpu.memory_space<vmem_shared>> -> memref<624x128xf32, #tpu.memory_space<vmem_shared>>
      tpu.enqueue_dma source(%arg5 : memref<624x128xf32, #tpu.memory_space<hbm>>) target(%dma_start3A_40 : memref<624x128xf32, #tpu.memory_space<vmem_shared>>) target_semaphore(%run_scoped3A_38 : memref<!tpu.dma_semaphore, #tpu.memory_space<semaphore_mem>>)
      %dma_wait3A = arith.constant 0 : i32
      %dma_wait3A_41 = tpu.memref_slice %arg7[%mul3A_0, %dma_wait3A] : memref<10000x128xf32, #tpu.memory_space<vmem_shared>> -> memref<624x128xf32, #tpu.memory_space<vmem_shared>>
      tpu.wait_dma2 semaphore(%run_scoped3A_38 : memref<!tpu.dma_semaphore, #tpu.memory_space<semaphore_mem>>) src(%arg5 : memref<624x128xf32, #tpu.memory_space<hbm>>) dst(%dma_wait3A_41 : memref<624x128xf32, #tpu.memory_space<vmem_shared>>)
      tpu.yield
    }) : () -> ()
    %eq3A = arith.constant 15 : i32
    %eq3A_1 = arith.cmpi eq, %arg1, %eq3A : i32
    %convert_element_type3A = arith.extui %eq3A_1 : i1 to i32
    %cond3A = arith.constant 0 : i32
    %cond3A_2 = arith.cmpi ne, %convert_element_type3A, %cond3A : i32
    scf.if %cond3A_2 {
      "tpu.region"() ({
        %run_scoped3A_38 = tpu.sem_alloc : memref<!tpu.dma_semaphore, #tpu.memory_space<semaphore_mem>>
        %dma_start3A_39 = arith.constant 9984 : i32
        %dma_start3A_40 = arith.constant 0 : i32
        %dma_start3A_41 = tpu.memref_slice %arg7[%dma_start3A_39, %dma_start3A_40] : memref<10000x128xf32, #tpu.memory_space<vmem_shared>> -> memref<16x128xf32, #tpu.memory_space<vmem_shared>>
        %dma_start3A_42 = arith.constant 0 : i32
        %dma_start3A_43 = arith.constant 0 : i32
        %dma_start3A_44 = tpu.memref_slice %arg5[%dma_start3A_42, %dma_start3A_43] : memref<624x128xf32, #tpu.memory_space<hbm>> -> memref<16x128xf32, #tpu.memory_space<hbm>>
        tpu.enqueue_dma source(%dma_start3A_44 : memref<16x128xf32, #tpu.memory_space<hbm>>) target(%dma_start3A_41 : memref<16x128xf32, #tpu.memory_space<vmem_shared>>) target_semaphore(%run_scoped3A_38 : memref<!tpu.dma_semaphore, #tpu.memory_space<semaphore_mem>>)
        %dma_wait3A = arith.constant 9984 : i32
        %dma_wait3A_45 = arith.constant 0 : i32
        %dma_wait3A_46 = tpu.memref_slice %arg7[%dma_wait3A, %dma_wait3A_45] : memref<10000x128xf32, #tpu.memory_space<vmem_shared>> -> memref<16x128xf32, #tpu.memory_space<vmem_shared>>
        %dma_wait3A_47 = arith.constant 0 : i32
        %dma_wait3A_48 = arith.constant 0 : i32
        %dma_wait3A_49 = tpu.memref_slice %arg5[%dma_wait3A_47, %dma_wait3A_48] : memref<624x128xf32, #tpu.memory_space<hbm>> -> memref<16x128xf32, #tpu.memory_space<hbm>>
        tpu.wait_dma2 semaphore(%run_scoped3A_38 : memref<!tpu.dma_semaphore, #tpu.memory_space<semaphore_mem>>) src(%dma_wait3A_49 : memref<16x128xf32, #tpu.memory_space<hbm>>) dst(%dma_wait3A_46 : memref<16x128xf32, #tpu.memory_space<vmem_shared>>)
        tpu.yield
      }) : () -> ()
    } else {
    }
    %barrier3A = arith.constant 0 : index
    tpu.barrier barrier_id(%barrier3A)
    %run_scoped3A = arith.constant 0 : i32
    "tpu.region"() ({
      %run_scoped3A_38 = tpu.sem_alloc : memref<!tpu.dma_semaphore, #tpu.memory_space<semaphore_mem>>
      %dma_start3A_39 = arith.constant 0 : i32
      %dma_start3A_40 = arith.constant 0 : i32
      %dma_start3A_41 = tpu.memref_slice %arg3[%arg0, %arg1, %run_scoped3A, %dma_start3A_39, %dma_start3A_40] : memref<2x16x2x40x125xi32, #tpu.memory_space<hbm>> -> memref<1x1x1x40x125xi32, #tpu.memory_space<hbm>>
      %dma_start3A_42 = tpu.memref_squeeze %dma_start3A_41 : memref<1x1x1x40x125xi32, #tpu.memory_space<hbm>> -> memref<40x125xi32, #tpu.memory_space<hbm>>
      %dma_start3A_43 = arith.constant 0 : i32
      %dma_start3A_44 = arith.constant 0 : i32
      %dma_start3A_45 = tpu.memref_slice %arg3[%arg0, %arg1, %run_scoped3A, %dma_start3A_43, %dma_start3A_44] : memref<2x16x2x40x125xi32, #tpu.memory_space<hbm>> -> memref<1x1x1x40x125xi32, #tpu.memory_space<hbm>>
      %dma_start3A_46 = tpu.memref_squeeze %dma_start3A_45 : memref<1x1x1x40x125xi32, #tpu.memory_space<hbm>> -> memref<40x125xi32, #tpu.memory_space<hbm>>
      tpu.enqueue_dma source(%dma_start3A_46 : memref<40x125xi32, #tpu.memory_space<hbm>>) target(%arg8 : memref<40x125xi32, #tpu.memory_space<vmem>>) target_semaphore(%run_scoped3A_38 : memref<!tpu.dma_semaphore, #tpu.memory_space<semaphore_mem>>)
      %dma_wait3A = arith.constant 0 : i32
      %dma_wait3A_47 = arith.constant 0 : i32
      %dma_wait3A_48 = tpu.memref_slice %arg3[%arg0, %arg1, %run_scoped3A, %dma_wait3A, %dma_wait3A_47] : memref<2x16x2x40x125xi32, #tpu.memory_space<hbm>> -> memref<1x1x1x40x125xi32, #tpu.memory_space<hbm>>
      %dma_wait3A_49 = tpu.memref_squeeze %dma_wait3A_48 : memref<1x1x1x40x125xi32, #tpu.memory_space<hbm>> -> memref<40x125xi32, #tpu.memory_space<hbm>>
      %dma_wait3A_50 = arith.constant 0 : i32
      %dma_wait3A_51 = arith.constant 0 : i32
      %dma_wait3A_52 = tpu.memref_slice %arg3[%arg0, %arg1, %run_scoped3A, %dma_wait3A_50, %dma_wait3A_51] : memref<2x16x2x40x125xi32, #tpu.memory_space<hbm>> -> memref<1x1x1x40x125xi32, #tpu.memory_space<hbm>>
      %dma_wait3A_53 = tpu.memref_squeeze %dma_wait3A_52 : memref<1x1x1x40x125xi32, #tpu.memory_space<hbm>> -> memref<40x125xi32, #tpu.memory_space<hbm>>
      tpu.wait_dma2 semaphore(%run_scoped3A_38 : memref<!tpu.dma_semaphore, #tpu.memory_space<semaphore_mem>>) src(%dma_wait3A_53 : memref<40x125xi32, #tpu.memory_space<hbm>>) dst(%arg8 : memref<40x125xi32, #tpu.memory_space<vmem>>)
      tpu.yield
    }) : () -> ()
    %run_scoped3A_3 = arith.constant 0 : i32
    "tpu.region"() ({
      %run_scoped3A_38 = tpu.sem_alloc : memref<!tpu.dma_semaphore, #tpu.memory_space<semaphore_mem>>
      %dma_start3A_39 = arith.constant 0 : i32
      %dma_start3A_40 = arith.constant 0 : i32
      %dma_start3A_41 = tpu.memref_slice %arg4[%arg1, %run_scoped3A_3, %dma_start3A_39, %dma_start3A_40] : memref<16x2x40x125xi32, #tpu.memory_space<hbm>> -> memref<1x1x40x125xi32, #tpu.memory_space<hbm>>
      %dma_start3A_42 = tpu.memref_squeeze %dma_start3A_41 : memref<1x1x40x125xi32, #tpu.memory_space<hbm>> -> memref<40x125xi32, #tpu.memory_space<hbm>>
      %dma_start3A_43 = arith.constant 0 : i32
      %dma_start3A_44 = arith.constant 0 : i32
      %dma_start3A_45 = tpu.memref_slice %arg4[%arg1, %run_scoped3A_3, %dma_start3A_43, %dma_start3A_44] : memref<16x2x40x125xi32, #tpu.memory_space<hbm>> -> memref<1x1x40x125xi32, #tpu.memory_space<hbm>>
      %dma_start3A_46 = tpu.memref_squeeze %dma_start3A_45 : memref<1x1x40x125xi32, #tpu.memory_space<hbm>> -> memref<40x125xi32, #tpu.memory_space<hbm>>
      tpu.enqueue_dma source(%dma_start3A_46 : memref<40x125xi32, #tpu.memory_space<hbm>>) target(%arg9 : memref<40x125xi32, #tpu.memory_space<vmem>>) target_semaphore(%run_scoped3A_38 : memref<!tpu.dma_semaphore, #tpu.memory_space<semaphore_mem>>)
      %dma_wait3A = arith.constant 0 : i32
      %dma_wait3A_47 = arith.constant 0 : i32
      %dma_wait3A_48 = tpu.memref_slice %arg4[%arg1, %run_scoped3A_3, %dma_wait3A, %dma_wait3A_47] : memref<16x2x40x125xi32, #tpu.memory_space<hbm>> -> memref<1x1x40x125xi32, #tpu.memory_space<hbm>>
      %dma_wait3A_49 = tpu.memref_squeeze %dma_wait3A_48 : memref<1x1x40x125xi32, #tpu.memory_space<hbm>> -> memref<40x125xi32, #tpu.memory_space<hbm>>
      %dma_wait3A_50 = arith.constant 0 : i32
      %dma_wait3A_51 = arith.constant 0 : i32
      %dma_wait3A_52 = tpu.memref_slice %arg4[%arg1, %run_scoped3A_3, %dma_wait3A_50, %dma_wait3A_51] : memref<16x2x40x125xi32, #tpu.memory_space<hbm>> -> memref<1x1x40x125xi32, #tpu.memory_space<hbm>>
      %dma_wait3A_53 = tpu.memref_squeeze %dma_wait3A_52 : memref<1x1x40x125xi32, #tpu.memory_space<hbm>> -> memref<40x125xi32, #tpu.memory_space<hbm>>
      tpu.wait_dma2 semaphore(%run_scoped3A_38 : memref<!tpu.dma_semaphore, #tpu.memory_space<semaphore_mem>>) src(%dma_wait3A_53 : memref<40x125xi32, #tpu.memory_space<hbm>>) dst(%arg9 : memref<40x125xi32, #tpu.memory_space<vmem>>)
      tpu.yield
    }) : () -> ()
    %dma_start3A = arith.constant 0 : i32
    %dma_start3A_4 = arith.constant 0 : i32
    %dma_start3A_5 = tpu.memref_slice %arg8[%dma_start3A, %dma_start3A_4] : memref<40x125xi32, #tpu.memory_space<vmem>> -> memref<1x125xi32, #tpu.memory_space<vmem>>
    %dma_start3A_6 = tpu.memref_squeeze %dma_start3A_5 : memref<1x125xi32, #tpu.memory_space<vmem>> -> memref<125xi32, #tpu.memory_space<vmem>>
    %dma_start3A_7 = arith.constant 0 : i32
    %dma_start3A_8 = arith.constant 0 : i32
    %dma_start3A_9 = tpu.memref_slice %arg2[%dma_start3A_7, %dma_start3A_8] : memref<20000x128xf32, #tpu.memory_space<hbm>> -> memref<20000x128xf32, #tpu.memory_space<hbm>>
    tpu.enqueue_indirect_dma source(%dma_start3A_9 : memref<20000x128xf32, #tpu.memory_space<hbm>>) target(%arg10 : memref<125x128xf32, #tpu.memory_space<vmem>>) offsets(%dma_start3A_6 : memref<125xi32, #tpu.memory_space<vmem>>) semaphore(%arg12 : memref<!tpu.dma_semaphore, #tpu.memory_space<semaphore_mem>>)
    %scan3A = arith.constant 0 : i32
    %scan3A_10 = arith.constant 0 : i32
    %scan3A_11 = arith.constant 20 : i32
    %scan3A_12 = arith.addi %scan3A_10, %scan3A_11 : i32
    %scan3A_13 = arith.constant 1 : i32
    scf.for %scan3A_38 = %scan3A_10 to %scan3A_12 step %scan3A_13  : i32 {
      %mul3A_39 = arith.constant 2 : i32
      %mul3A_40 = arith.muli %mul3A_39, %scan3A_38 : i32
      %dma_wait3A = arith.constant 0 : i32
      %dma_wait3A_41 = tpu.memref_slice %arg8[%mul3A_40, %dma_wait3A] : memref<40x125xi32, #tpu.memory_space<vmem>> -> memref<1x125xi32, #tpu.memory_space<vmem>>
      %dma_wait3A_42 = tpu.memref_squeeze %dma_wait3A_41 : memref<1x125xi32, #tpu.memory_space<vmem>> -> memref<125xi32, #tpu.memory_space<vmem>>
      %dma_wait3A_43 = arith.constant 0 : i32
      %dma_wait3A_44 = arith.constant 0 : i32
      %dma_wait3A_45 = tpu.memref_slice %arg2[%dma_wait3A_43, %dma_wait3A_44] : memref<20000x128xf32, #tpu.memory_space<hbm>> -> memref<20000x128xf32, #tpu.memory_space<hbm>>
      tpu.wait_indirect_dma semaphore(%arg12 : memref<!tpu.dma_semaphore, #tpu.memory_space<semaphore_mem>>) src(%dma_wait3A_45 : memref<20000x128xf32, #tpu.memory_space<hbm>>) dst(%arg10 : memref<125x128xf32, #tpu.memory_space<vmem>>)
      %add3A_46 = arith.constant 1 : i32
      %add3A_47 = arith.addi %mul3A_40, %add3A_46 : i32
      %dma_start3A_48 = arith.constant 0 : i32
      %dma_start3A_49 = tpu.memref_slice %arg8[%add3A_47, %dma_start3A_48] : memref<40x125xi32, #tpu.memory_space<vmem>> -> memref<1x125xi32, #tpu.memory_space<vmem>>
      %dma_start3A_50 = tpu.memref_squeeze %dma_start3A_49 : memref<1x125xi32, #tpu.memory_space<vmem>> -> memref<125xi32, #tpu.memory_space<vmem>>
      %dma_start3A_51 = arith.constant 0 : i32
      %dma_start3A_52 = arith.constant 0 : i32
      %dma_start3A_53 = tpu.memref_slice %arg2[%dma_start3A_51, %dma_start3A_52] : memref<20000x128xf32, #tpu.memory_space<hbm>> -> memref<20000x128xf32, #tpu.memory_space<hbm>>
      tpu.enqueue_indirect_dma source(%dma_start3A_53 : memref<20000x128xf32, #tpu.memory_space<hbm>>) target(%arg11 : memref<125x128xf32, #tpu.memory_space<vmem>>) offsets(%dma_start3A_50 : memref<125xi32, #tpu.memory_space<vmem>>) semaphore(%arg13 : memref<!tpu.dma_semaphore, #tpu.memory_space<semaphore_mem>>)
      "tpu.region"() ({
        %run_scoped3A_68 = tpu.sem_alloc : memref<!tpu.dma_semaphore, #tpu.memory_space<semaphore_mem>>
        %dma_start3A_69 = arith.constant 0 : i32
        %dma_start3A_70 = tpu.memref_slice %arg9[%mul3A_40, %dma_start3A_69] : memref<40x125xi32, #tpu.memory_space<vmem>> -> memref<1x125xi32, #tpu.memory_space<vmem>>
        %dma_start3A_71 = tpu.memref_squeeze %dma_start3A_70 : memref<1x125xi32, #tpu.memory_space<vmem>> -> memref<125xi32, #tpu.memory_space<vmem>>
        %dma_start3A_72 = arith.constant 0 : i32
        %dma_start3A_73 = arith.constant 0 : i32
        %dma_start3A_74 = tpu.memref_slice %arg7[%dma_start3A_72, %dma_start3A_73] : memref<10000x128xf32, #tpu.memory_space<vmem_shared>> -> memref<10000x128xf32, #tpu.memory_space<vmem_shared>>
        tpu.enqueue_indirect_dma source(%arg10 : memref<125x128xf32, #tpu.memory_space<vmem>>) target(%dma_start3A_74 : memref<10000x128xf32, #tpu.memory_space<vmem_shared>>) offsets(%dma_start3A_71 : memref<125xi32, #tpu.memory_space<vmem>>) semaphore(%run_scoped3A_68 : memref<!tpu.dma_semaphore, #tpu.memory_space<semaphore_mem>>) {add = true}
        %dma_wait3A_75 = arith.constant 0 : i32
        %dma_wait3A_76 = tpu.memref_slice %arg9[%mul3A_40, %dma_wait3A_75] : memref<40x125xi32, #tpu.memory_space<vmem>> -> memref<1x125xi32, #tpu.memory_space<vmem>>
        %dma_wait3A_77 = tpu.memref_squeeze %dma_wait3A_76 : memref<1x125xi32, #tpu.memory_space<vmem>> -> memref<125xi32, #tpu.memory_space<vmem>>
        %dma_wait3A_78 = arith.constant 0 : i32
        %dma_wait3A_79 = arith.constant 0 : i32
        %dma_wait3A_80 = tpu.memref_slice %arg7[%dma_wait3A_78, %dma_wait3A_79] : memref<10000x128xf32, #tpu.memory_space<vmem_shared>> -> memref<10000x128xf32, #tpu.memory_space<vmem_shared>>
        tpu.wait_indirect_dma semaphore(%run_scoped3A_68 : memref<!tpu.dma_semaphore, #tpu.memory_space<semaphore_mem>>) src(%arg10 : memref<125x128xf32, #tpu.memory_space<vmem>>) dst(%dma_wait3A_80 : memref<10000x128xf32, #tpu.memory_space<vmem_shared>>)
        tpu.yield
      }) : () -> ()
      %add3A_54 = arith.constant 1 : i32
      %add3A_55 = arith.addi %mul3A_40, %add3A_54 : i32
      %dma_wait3A_56 = arith.constant 0 : i32
      %dma_wait3A_57 = tpu.memref_slice %arg8[%add3A_55, %dma_wait3A_56] : memref<40x125xi32, #tpu.memory_space<vmem>> -> memref<1x125xi32, #tpu.memory_space<vmem>>
      %dma_wait3A_58 = tpu.memref_squeeze %dma_wait3A_57 : memref<1x125xi32, #tpu.memory_space<vmem>> -> memref<125xi32, #tpu.memory_space<vmem>>
      %dma_wait3A_59 = arith.constant 0 : i32
      %dma_wait3A_60 = arith.constant 0 : i32
      %dma_wait3A_61 = tpu.memref_slice %arg2[%dma_wait3A_59, %dma_wait3A_60] : memref<20000x128xf32, #tpu.memory_space<hbm>> -> memref<20000x128xf32, #tpu.memory_space<hbm>>
      tpu.wait_indirect_dma semaphore(%arg13 : memref<!tpu.dma_semaphore, #tpu.memory_space<semaphore_mem>>) src(%dma_wait3A_61 : memref<20000x128xf32, #tpu.memory_space<hbm>>) dst(%arg11 : memref<125x128xf32, #tpu.memory_space<vmem>>)
      %lt3A = arith.constant 19 : i32
      %lt3A_62 = arith.cmpi slt, %scan3A_38, %lt3A : i32
      %convert_element_type3A_63 = arith.extui %lt3A_62 : i1 to i32
      %cond3A_64 = arith.constant 0 : i32
      %cond3A_65 = arith.cmpi ne, %convert_element_type3A_63, %cond3A_64 : i32
      scf.if %cond3A_65 {
        %add3A_68 = arith.constant 2 : i32
        %add3A_69 = arith.addi %mul3A_40, %add3A_68 : i32
        %dma_start3A_70 = arith.constant 0 : i32
        %dma_start3A_71 = tpu.memref_slice %arg8[%add3A_69, %dma_start3A_70] : memref<40x125xi32, #tpu.memory_space<vmem>> -> memref<1x125xi32, #tpu.memory_space<vmem>>
        %dma_start3A_72 = tpu.memref_squeeze %dma_start3A_71 : memref<1x125xi32, #tpu.memory_space<vmem>> -> memref<125xi32, #tpu.memory_space<vmem>>
        %dma_start3A_73 = arith.constant 0 : i32
        %dma_start3A_74 = arith.constant 0 : i32
        %dma_start3A_75 = tpu.memref_slice %arg2[%dma_start3A_73, %dma_start3A_74] : memref<20000x128xf32, #tpu.memory_space<hbm>> -> memref<20000x128xf32, #tpu.memory_space<hbm>>
        tpu.enqueue_indirect_dma source(%dma_start3A_75 : memref<20000x128xf32, #tpu.memory_space<hbm>>) target(%arg10 : memref<125x128xf32, #tpu.memory_space<vmem>>) offsets(%dma_start3A_72 : memref<125xi32, #tpu.memory_space<vmem>>) semaphore(%arg12 : memref<!tpu.dma_semaphore, #tpu.memory_space<semaphore_mem>>)
      } else {
      }
      %add3A_66 = arith.constant 1 : i32
      %add3A_67 = arith.addi %mul3A_40, %add3A_66 : i32
      "tpu.region"() ({
        %run_scoped3A_68 = tpu.sem_alloc : memref<!tpu.dma_semaphore, #tpu.memory_space<semaphore_mem>>
        %dma_start3A_69 = arith.constant 0 : i32
        %dma_start3A_70 = tpu.memref_slice %arg9[%add3A_67, %dma_start3A_69] : memref<40x125xi32, #tpu.memory_space<vmem>> -> memref<1x125xi32, #tpu.memory_space<vmem>>
        %dma_start3A_71 = tpu.memref_squeeze %dma_start3A_70 : memref<1x125xi32, #tpu.memory_space<vmem>> -> memref<125xi32, #tpu.memory_space<vmem>>
        %dma_start3A_72 = arith.constant 0 : i32
        %dma_start3A_73 = arith.constant 0 : i32
        %dma_start3A_74 = tpu.memref_slice %arg7[%dma_start3A_72, %dma_start3A_73] : memref<10000x128xf32, #tpu.memory_space<vmem_shared>> -> memref<10000x128xf32, #tpu.memory_space<vmem_shared>>
        tpu.enqueue_indirect_dma source(%arg11 : memref<125x128xf32, #tpu.memory_space<vmem>>) target(%dma_start3A_74 : memref<10000x128xf32, #tpu.memory_space<vmem_shared>>) offsets(%dma_start3A_71 : memref<125xi32, #tpu.memory_space<vmem>>) semaphore(%run_scoped3A_68 : memref<!tpu.dma_semaphore, #tpu.memory_space<semaphore_mem>>) {add = true}
        %dma_wait3A_75 = arith.constant 0 : i32
        %dma_wait3A_76 = tpu.memref_slice %arg9[%add3A_67, %dma_wait3A_75] : memref<40x125xi32, #tpu.memory_space<vmem>> -> memref<1x125xi32, #tpu.memory_space<vmem>>
        %dma_wait3A_77 = tpu.memref_squeeze %dma_wait3A_76 : memref<1x125xi32, #tpu.memory_space<vmem>> -> memref<125xi32, #tpu.memory_space<vmem>>
        %dma_wait3A_78 = arith.constant 0 : i32
        %dma_wait3A_79 = arith.constant 0 : i32
        %dma_wait3A_80 = tpu.memref_slice %arg7[%dma_wait3A_78, %dma_wait3A_79] : memref<10000x128xf32, #tpu.memory_space<vmem_shared>> -> memref<10000x128xf32, #tpu.memory_space<vmem_shared>>
        tpu.wait_indirect_dma semaphore(%run_scoped3A_68 : memref<!tpu.dma_semaphore, #tpu.memory_space<semaphore_mem>>) src(%arg11 : memref<125x128xf32, #tpu.memory_space<vmem>>) dst(%dma_wait3A_80 : memref<10000x128xf32, #tpu.memory_space<vmem_shared>>)
        tpu.yield
      }) : () -> ()
    }
    %scan3A_14 = arith.constant 20 : i32
    %run_scoped3A_15 = arith.constant 1 : i32
    "tpu.region"() ({
      %run_scoped3A_38 = tpu.sem_alloc : memref<!tpu.dma_semaphore, #tpu.memory_space<semaphore_mem>>
      %dma_start3A_39 = arith.constant 0 : i32
      %dma_start3A_40 = arith.constant 0 : i32
      %dma_start3A_41 = tpu.memref_slice %arg3[%arg0, %arg1, %run_scoped3A_15, %dma_start3A_39, %dma_start3A_40] : memref<2x16x2x40x125xi32, #tpu.memory_space<hbm>> -> memref<1x1x1x40x125xi32, #tpu.memory_space<hbm>>
      %dma_start3A_42 = tpu.memref_squeeze %dma_start3A_41 : memref<1x1x1x40x125xi32, #tpu.memory_space<hbm>> -> memref<40x125xi32, #tpu.memory_space<hbm>>
      %dma_start3A_43 = arith.constant 0 : i32
      %dma_start3A_44 = arith.constant 0 : i32
      %dma_start3A_45 = tpu.memref_slice %arg3[%arg0, %arg1, %run_scoped3A_15, %dma_start3A_43, %dma_start3A_44] : memref<2x16x2x40x125xi32, #tpu.memory_space<hbm>> -> memref<1x1x1x40x125xi32, #tpu.memory_space<hbm>>
      %dma_start3A_46 = tpu.memref_squeeze %dma_start3A_45 : memref<1x1x1x40x125xi32, #tpu.memory_space<hbm>> -> memref<40x125xi32, #tpu.memory_space<hbm>>
      tpu.enqueue_dma source(%dma_start3A_46 : memref<40x125xi32, #tpu.memory_space<hbm>>) target(%arg8 : memref<40x125xi32, #tpu.memory_space<vmem>>) target_semaphore(%run_scoped3A_38 : memref<!tpu.dma_semaphore, #tpu.memory_space<semaphore_mem>>)
      %dma_wait3A = arith.constant 0 : i32
      %dma_wait3A_47 = arith.constant 0 : i32
      %dma_wait3A_48 = tpu.memref_slice %arg3[%arg0, %arg1, %run_scoped3A_15, %dma_wait3A, %dma_wait3A_47] : memref<2x16x2x40x125xi32, #tpu.memory_space<hbm>> -> memref<1x1x1x40x125xi32, #tpu.memory_space<hbm>>
      %dma_wait3A_49 = tpu.memref_squeeze %dma_wait3A_48 : memref<1x1x1x40x125xi32, #tpu.memory_space<hbm>> -> memref<40x125xi32, #tpu.memory_space<hbm>>
      %dma_wait3A_50 = arith.constant 0 : i32
      %dma_wait3A_51 = arith.constant 0 : i32
      %dma_wait3A_52 = tpu.memref_slice %arg3[%arg0, %arg1, %run_scoped3A_15, %dma_wait3A_50, %dma_wait3A_51] : memref<2x16x2x40x125xi32, #tpu.memory_space<hbm>> -> memref<1x1x1x40x125xi32, #tpu.memory_space<hbm>>
      %dma_wait3A_53 = tpu.memref_squeeze %dma_wait3A_52 : memref<1x1x1x40x125xi32, #tpu.memory_space<hbm>> -> memref<40x125xi32, #tpu.memory_space<hbm>>
      tpu.wait_dma2 semaphore(%run_scoped3A_38 : memref<!tpu.dma_semaphore, #tpu.memory_space<semaphore_mem>>) src(%dma_wait3A_53 : memref<40x125xi32, #tpu.memory_space<hbm>>) dst(%arg8 : memref<40x125xi32, #tpu.memory_space<vmem>>)
      tpu.yield
    }) : () -> ()
    %run_scoped3A_16 = arith.constant 1 : i32
    "tpu.region"() ({
      %run_scoped3A_38 = tpu.sem_alloc : memref<!tpu.dma_semaphore, #tpu.memory_space<semaphore_mem>>
      %dma_start3A_39 = arith.constant 0 : i32
      %dma_start3A_40 = arith.constant 0 : i32
      %dma_start3A_41 = tpu.memref_slice %arg4[%arg1, %run_scoped3A_16, %dma_start3A_39, %dma_start3A_40] : memref<16x2x40x125xi32, #tpu.memory_space<hbm>> -> memref<1x1x40x125xi32, #tpu.memory_space<hbm>>
      %dma_start3A_42 = tpu.memref_squeeze %dma_start3A_41 : memref<1x1x40x125xi32, #tpu.memory_space<hbm>> -> memref<40x125xi32, #tpu.memory_space<hbm>>
      %dma_start3A_43 = arith.constant 0 : i32
      %dma_start3A_44 = arith.constant 0 : i32
      %dma_start3A_45 = tpu.memref_slice %arg4[%arg1, %run_scoped3A_16, %dma_start3A_43, %dma_start3A_44] : memref<16x2x40x125xi32, #tpu.memory_space<hbm>> -> memref<1x1x40x125xi32, #tpu.memory_space<hbm>>
      %dma_start3A_46 = tpu.memref_squeeze %dma_start3A_45 : memref<1x1x40x125xi32, #tpu.memory_space<hbm>> -> memref<40x125xi32, #tpu.memory_space<hbm>>
      tpu.enqueue_dma source(%dma_start3A_46 : memref<40x125xi32, #tpu.memory_space<hbm>>) target(%arg9 : memref<40x125xi32, #tpu.memory_space<vmem>>) target_semaphore(%run_scoped3A_38 : memref<!tpu.dma_semaphore, #tpu.memory_space<semaphore_mem>>)
      %dma_wait3A = arith.constant 0 : i32
      %dma_wait3A_47 = arith.constant 0 : i32
      %dma_wait3A_48 = tpu.memref_slice %arg4[%arg1, %run_scoped3A_16, %dma_wait3A, %dma_wait3A_47] : memref<16x2x40x125xi32, #tpu.memory_space<hbm>> -> memref<1x1x40x125xi32, #tpu.memory_space<hbm>>
      %dma_wait3A_49 = tpu.memref_squeeze %dma_wait3A_48 : memref<1x1x40x125xi32, #tpu.memory_space<hbm>> -> memref<40x125xi32, #tpu.memory_space<hbm>>
      %dma_wait3A_50 = arith.constant 0 : i32
      %dma_wait3A_51 = arith.constant 0 : i32
      %dma_wait3A_52 = tpu.memref_slice %arg4[%arg1, %run_scoped3A_16, %dma_wait3A_50, %dma_wait3A_51] : memref<16x2x40x125xi32, #tpu.memory_space<hbm>> -> memref<1x1x40x125xi32, #tpu.memory_space<hbm>>
      %dma_wait3A_53 = tpu.memref_squeeze %dma_wait3A_52 : memref<1x1x40x125xi32, #tpu.memory_space<hbm>> -> memref<40x125xi32, #tpu.memory_space<hbm>>
      tpu.wait_dma2 semaphore(%run_scoped3A_38 : memref<!tpu.dma_semaphore, #tpu.memory_space<semaphore_mem>>) src(%dma_wait3A_53 : memref<40x125xi32, #tpu.memory_space<hbm>>) dst(%arg9 : memref<40x125xi32, #tpu.memory_space<vmem>>)
      tpu.yield
    }) : () -> ()
    %dma_start3A_17 = arith.constant 0 : i32
    %dma_start3A_18 = arith.constant 0 : i32
    %dma_start3A_19 = tpu.memref_slice %arg8[%dma_start3A_17, %dma_start3A_18] : memref<40x125xi32, #tpu.memory_space<vmem>> -> memref<1x125xi32, #tpu.memory_space<vmem>>
    %dma_start3A_20 = tpu.memref_squeeze %dma_start3A_19 : memref<1x125xi32, #tpu.memory_space<vmem>> -> memref<125xi32, #tpu.memory_space<vmem>>
    %dma_start3A_21 = arith.constant 0 : i32
    %dma_start3A_22 = arith.constant 0 : i32
    %dma_start3A_23 = tpu.memref_slice %arg2[%dma_start3A_21, %dma_start3A_22] : memref<20000x128xf32, #tpu.memory_space<hbm>> -> memref<20000x128xf32, #tpu.memory_space<hbm>>
    tpu.enqueue_indirect_dma source(%dma_start3A_23 : memref<20000x128xf32, #tpu.memory_space<hbm>>) target(%arg10 : memref<125x128xf32, #tpu.memory_space<vmem>>) offsets(%dma_start3A_20 : memref<125xi32, #tpu.memory_space<vmem>>) semaphore(%arg12 : memref<!tpu.dma_semaphore, #tpu.memory_space<semaphore_mem>>)
    %scan3A_24 = arith.constant 0 : i32
    %scan3A_25 = arith.constant 0 : i32
    %scan3A_26 = arith.constant 20 : i32
    %scan3A_27 = arith.addi %scan3A_25, %scan3A_26 : i32
    %scan3A_28 = arith.constant 1 : i32
    scf.for %scan3A_38 = %scan3A_25 to %scan3A_27 step %scan3A_28  : i32 {
      %mul3A_39 = arith.constant 2 : i32
      %mul3A_40 = arith.muli %mul3A_39, %scan3A_38 : i32
      %dma_wait3A = arith.constant 0 : i32
      %dma_wait3A_41 = tpu.memref_slice %arg8[%mul3A_40, %dma_wait3A] : memref<40x125xi32, #tpu.memory_space<vmem>> -> memref<1x125xi32, #tpu.memory_space<vmem>>
      %dma_wait3A_42 = tpu.memref_squeeze %dma_wait3A_41 : memref<1x125xi32, #tpu.memory_space<vmem>> -> memref<125xi32, #tpu.memory_space<vmem>>
      %dma_wait3A_43 = arith.constant 0 : i32
      %dma_wait3A_44 = arith.constant 0 : i32
      %dma_wait3A_45 = tpu.memref_slice %arg2[%dma_wait3A_43, %dma_wait3A_44] : memref<20000x128xf32, #tpu.memory_space<hbm>> -> memref<20000x128xf32, #tpu.memory_space<hbm>>
      tpu.wait_indirect_dma semaphore(%arg12 : memref<!tpu.dma_semaphore, #tpu.memory_space<semaphore_mem>>) src(%dma_wait3A_45 : memref<20000x128xf32, #tpu.memory_space<hbm>>) dst(%arg10 : memref<125x128xf32, #tpu.memory_space<vmem>>)
      %add3A_46 = arith.constant 1 : i32
      %add3A_47 = arith.addi %mul3A_40, %add3A_46 : i32
      %dma_start3A_48 = arith.constant 0 : i32
      %dma_start3A_49 = tpu.memref_slice %arg8[%add3A_47, %dma_start3A_48] : memref<40x125xi32, #tpu.memory_space<vmem>> -> memref<1x125xi32, #tpu.memory_space<vmem>>
      %dma_start3A_50 = tpu.memref_squeeze %dma_start3A_49 : memref<1x125xi32, #tpu.memory_space<vmem>> -> memref<125xi32, #tpu.memory_space<vmem>>
      %dma_start3A_51 = arith.constant 0 : i32
      %dma_start3A_52 = arith.constant 0 : i32
      %dma_start3A_53 = tpu.memref_slice %arg2[%dma_start3A_51, %dma_start3A_52] : memref<20000x128xf32, #tpu.memory_space<hbm>> -> memref<20000x128xf32, #tpu.memory_space<hbm>>
      tpu.enqueue_indirect_dma source(%dma_start3A_53 : memref<20000x128xf32, #tpu.memory_space<hbm>>) target(%arg11 : memref<125x128xf32, #tpu.memory_space<vmem>>) offsets(%dma_start3A_50 : memref<125xi32, #tpu.memory_space<vmem>>) semaphore(%arg13 : memref<!tpu.dma_semaphore, #tpu.memory_space<semaphore_mem>>)
      "tpu.region"() ({
        %run_scoped3A_68 = tpu.sem_alloc : memref<!tpu.dma_semaphore, #tpu.memory_space<semaphore_mem>>
        %dma_start3A_69 = arith.constant 0 : i32
        %dma_start3A_70 = tpu.memref_slice %arg9[%mul3A_40, %dma_start3A_69] : memref<40x125xi32, #tpu.memory_space<vmem>> -> memref<1x125xi32, #tpu.memory_space<vmem>>
        %dma_start3A_71 = tpu.memref_squeeze %dma_start3A_70 : memref<1x125xi32, #tpu.memory_space<vmem>> -> memref<125xi32, #tpu.memory_space<vmem>>
        %dma_start3A_72 = arith.constant 0 : i32
        %dma_start3A_73 = arith.constant 0 : i32
        %dma_start3A_74 = tpu.memref_slice %arg7[%dma_start3A_72, %dma_start3A_73] : memref<10000x128xf32, #tpu.memory_space<vmem_shared>> -> memref<10000x128xf32, #tpu.memory_space<vmem_shared>>
        tpu.enqueue_indirect_dma source(%arg10 : memref<125x128xf32, #tpu.memory_space<vmem>>) target(%dma_start3A_74 : memref<10000x128xf32, #tpu.memory_space<vmem_shared>>) offsets(%dma_start3A_71 : memref<125xi32, #tpu.memory_space<vmem>>) semaphore(%run_scoped3A_68 : memref<!tpu.dma_semaphore, #tpu.memory_space<semaphore_mem>>) {add = true}
        %dma_wait3A_75 = arith.constant 0 : i32
        %dma_wait3A_76 = tpu.memref_slice %arg9[%mul3A_40, %dma_wait3A_75] : memref<40x125xi32, #tpu.memory_space<vmem>> -> memref<1x125xi32, #tpu.memory_space<vmem>>
        %dma_wait3A_77 = tpu.memref_squeeze %dma_wait3A_76 : memref<1x125xi32, #tpu.memory_space<vmem>> -> memref<125xi32, #tpu.memory_space<vmem>>
        %dma_wait3A_78 = arith.constant 0 : i32
        %dma_wait3A_79 = arith.constant 0 : i32
        %dma_wait3A_80 = tpu.memref_slice %arg7[%dma_wait3A_78, %dma_wait3A_79] : memref<10000x128xf32, #tpu.memory_space<vmem_shared>> -> memref<10000x128xf32, #tpu.memory_space<vmem_shared>>
        tpu.wait_indirect_dma semaphore(%run_scoped3A_68 : memref<!tpu.dma_semaphore, #tpu.memory_space<semaphore_mem>>) src(%arg10 : memref<125x128xf32, #tpu.memory_space<vmem>>) dst(%dma_wait3A_80 : memref<10000x128xf32, #tpu.memory_space<vmem_shared>>)
        tpu.yield
      }) : () -> ()
      %add3A_54 = arith.constant 1 : i32
      %add3A_55 = arith.addi %mul3A_40, %add3A_54 : i32
      %dma_wait3A_56 = arith.constant 0 : i32
      %dma_wait3A_57 = tpu.memref_slice %arg8[%add3A_55, %dma_wait3A_56] : memref<40x125xi32, #tpu.memory_space<vmem>> -> memref<1x125xi32, #tpu.memory_space<vmem>>
      %dma_wait3A_58 = tpu.memref_squeeze %dma_wait3A_57 : memref<1x125xi32, #tpu.memory_space<vmem>> -> memref<125xi32, #tpu.memory_space<vmem>>
      %dma_wait3A_59 = arith.constant 0 : i32
      %dma_wait3A_60 = arith.constant 0 : i32
      %dma_wait3A_61 = tpu.memref_slice %arg2[%dma_wait3A_59, %dma_wait3A_60] : memref<20000x128xf32, #tpu.memory_space<hbm>> -> memref<20000x128xf32, #tpu.memory_space<hbm>>
      tpu.wait_indirect_dma semaphore(%arg13 : memref<!tpu.dma_semaphore, #tpu.memory_space<semaphore_mem>>) src(%dma_wait3A_61 : memref<20000x128xf32, #tpu.memory_space<hbm>>) dst(%arg11 : memref<125x128xf32, #tpu.memory_space<vmem>>)
      %lt3A = arith.constant 19 : i32
      %lt3A_62 = arith.cmpi slt, %scan3A_38, %lt3A : i32
      %convert_element_type3A_63 = arith.extui %lt3A_62 : i1 to i32
      %cond3A_64 = arith.constant 0 : i32
      %cond3A_65 = arith.cmpi ne, %convert_element_type3A_63, %cond3A_64 : i32
      scf.if %cond3A_65 {
        %add3A_68 = arith.constant 2 : i32
        %add3A_69 = arith.addi %mul3A_40, %add3A_68 : i32
        %dma_start3A_70 = arith.constant 0 : i32
        %dma_start3A_71 = tpu.memref_slice %arg8[%add3A_69, %dma_start3A_70] : memref<40x125xi32, #tpu.memory_space<vmem>> -> memref<1x125xi32, #tpu.memory_space<vmem>>
        %dma_start3A_72 = tpu.memref_squeeze %dma_start3A_71 : memref<1x125xi32, #tpu.memory_space<vmem>> -> memref<125xi32, #tpu.memory_space<vmem>>
        %dma_start3A_73 = arith.constant 0 : i32
        %dma_start3A_74 = arith.constant 0 : i32
        %dma_start3A_75 = tpu.memref_slice %arg2[%dma_start3A_73, %dma_start3A_74] : memref<20000x128xf32, #tpu.memory_space<hbm>> -> memref<20000x128xf32, #tpu.memory_space<hbm>>
        tpu.enqueue_indirect_dma source(%dma_start3A_75 : memref<20000x128xf32, #tpu.memory_space<hbm>>) target(%arg10 : memref<125x128xf32, #tpu.memory_space<vmem>>) offsets(%dma_start3A_72 : memref<125xi32, #tpu.memory_space<vmem>>) semaphore(%arg12 : memref<!tpu.dma_semaphore, #tpu.memory_space<semaphore_mem>>)
      } else {
      }
      %add3A_66 = arith.constant 1 : i32
      %add3A_67 = arith.addi %mul3A_40, %add3A_66 : i32
      "tpu.region"() ({
        %run_scoped3A_68 = tpu.sem_alloc : memref<!tpu.dma_semaphore, #tpu.memory_space<semaphore_mem>>
        %dma_start3A_69 = arith.constant 0 : i32
        %dma_start3A_70 = tpu.memref_slice %arg9[%add3A_67, %dma_start3A_69] : memref<40x125xi32, #tpu.memory_space<vmem>> -> memref<1x125xi32, #tpu.memory_space<vmem>>
        %dma_start3A_71 = tpu.memref_squeeze %dma_start3A_70 : memref<1x125xi32, #tpu.memory_space<vmem>> -> memref<125xi32, #tpu.memory_space<vmem>>
        %dma_start3A_72 = arith.constant 0 : i32
        %dma_start3A_73 = arith.constant 0 : i32
        %dma_start3A_74 = tpu.memref_slice %arg7[%dma_start3A_72, %dma_start3A_73] : memref<10000x128xf32, #tpu.memory_space<vmem_shared>> -> memref<10000x128xf32, #tpu.memory_space<vmem_shared>>
        tpu.enqueue_indirect_dma source(%arg11 : memref<125x128xf32, #tpu.memory_space<vmem>>) target(%dma_start3A_74 : memref<10000x128xf32, #tpu.memory_space<vmem_shared>>) offsets(%dma_start3A_71 : memref<125xi32, #tpu.memory_space<vmem>>) semaphore(%run_scoped3A_68 : memref<!tpu.dma_semaphore, #tpu.memory_space<semaphore_mem>>) {add = true}
        %dma_wait3A_75 = arith.constant 0 : i32
        %dma_wait3A_76 = tpu.memref_slice %arg9[%add3A_67, %dma_wait3A_75] : memref<40x125xi32, #tpu.memory_space<vmem>> -> memref<1x125xi32, #tpu.memory_space<vmem>>
        %dma_wait3A_77 = tpu.memref_squeeze %dma_wait3A_76 : memref<1x125xi32, #tpu.memory_space<vmem>> -> memref<125xi32, #tpu.memory_space<vmem>>
        %dma_wait3A_78 = arith.constant 0 : i32
        %dma_wait3A_79 = arith.constant 0 : i32
        %dma_wait3A_80 = tpu.memref_slice %arg7[%dma_wait3A_78, %dma_wait3A_79] : memref<10000x128xf32, #tpu.memory_space<vmem_shared>> -> memref<10000x128xf32, #tpu.memory_space<vmem_shared>>
        tpu.wait_indirect_dma semaphore(%run_scoped3A_68 : memref<!tpu.dma_semaphore, #tpu.memory_space<semaphore_mem>>) src(%arg11 : memref<125x128xf32, #tpu.memory_space<vmem>>) dst(%dma_wait3A_80 : memref<10000x128xf32, #tpu.memory_space<vmem_shared>>)
        tpu.yield
      }) : () -> ()
    }
    %scan3A_29 = arith.constant 20 : i32
    %barrier3A_30 = arith.constant 0 : index
    tpu.barrier barrier_id(%barrier3A_30)
    %mul3A_31 = arith.constant 10000 : i32
    %mul3A_32 = arith.muli %arg0, %mul3A_31 : i32
    %add3A = arith.addi %mul3A_32, %mul3A_0 : i32
    "tpu.region"() ({
      %run_scoped3A_38 = tpu.sem_alloc : memref<!tpu.dma_semaphore, #tpu.memory_space<semaphore_mem>>
      %dma_start3A_39 = arith.constant 0 : i32
      %dma_start3A_40 = tpu.memref_slice %arg6[%add3A, %dma_start3A_39] : memref<20000x128xf32, #tpu.memory_space<hbm>> -> memref<624x128xf32, #tpu.memory_space<hbm>>
      %dma_start3A_41 = arith.constant 0 : i32
      %dma_start3A_42 = tpu.memref_slice %arg7[%mul3A_0, %dma_start3A_41] : memref<10000x128xf32, #tpu.memory_space<vmem_shared>> -> memref<624x128xf32, #tpu.memory_space<vmem_shared>>
      tpu.enqueue_dma source(%dma_start3A_42 : memref<624x128xf32, #tpu.memory_space<vmem_shared>>) target(%dma_start3A_40 : memref<624x128xf32, #tpu.memory_space<hbm>>) target_semaphore(%run_scoped3A_38 : memref<!tpu.dma_semaphore, #tpu.memory_space<semaphore_mem>>)
      %dma_wait3A = arith.constant 0 : i32
      %dma_wait3A_43 = tpu.memref_slice %arg6[%add3A, %dma_wait3A] : memref<20000x128xf32, #tpu.memory_space<hbm>> -> memref<624x128xf32, #tpu.memory_space<hbm>>
      %dma_wait3A_44 = arith.constant 0 : i32
      %dma_wait3A_45 = tpu.memref_slice %arg7[%mul3A_0, %dma_wait3A_44] : memref<10000x128xf32, #tpu.memory_space<vmem_shared>> -> memref<624x128xf32, #tpu.memory_space<vmem_shared>>
      tpu.wait_dma2 semaphore(%run_scoped3A_38 : memref<!tpu.dma_semaphore, #tpu.memory_space<semaphore_mem>>) src(%dma_wait3A_45 : memref<624x128xf32, #tpu.memory_space<vmem_shared>>) dst(%dma_wait3A_43 : memref<624x128xf32, #tpu.memory_space<hbm>>)
      tpu.yield
    }) : () -> ()
    %eq3A_33 = arith.constant 15 : i32
    %eq3A_34 = arith.cmpi eq, %arg1, %eq3A_33 : i32
    %convert_element_type3A_35 = arith.extui %eq3A_34 : i1 to i32
    %cond3A_36 = arith.constant 0 : i32
    %cond3A_37 = arith.cmpi ne, %convert_element_type3A_35, %cond3A_36 : i32
    scf.if %cond3A_37 {
      %mul3A_38 = arith.constant 10000 : i32
      %mul3A_39 = arith.muli %arg0, %mul3A_38 : i32
      %add3A_40 = arith.constant 9984 : i32
      %add3A_41 = arith.addi %mul3A_39, %add3A_40 : i32
      "tpu.region"() ({
        %run_scoped3A_42 = tpu.sem_alloc : memref<!tpu.dma_semaphore, #tpu.memory_space<semaphore_mem>>
        %dma_start3A_43 = arith.constant 0 : i32
        %dma_start3A_44 = tpu.memref_slice %arg6[%add3A_41, %dma_start3A_43] : memref<20000x128xf32, #tpu.memory_space<hbm>> -> memref<16x128xf32, #tpu.memory_space<hbm>>
        %dma_start3A_45 = arith.constant 9984 : i32
        %dma_start3A_46 = arith.constant 0 : i32
        %dma_start3A_47 = tpu.memref_slice %arg7[%dma_start3A_45, %dma_start3A_46] : memref<10000x128xf32, #tpu.memory_space<vmem_shared>> -> memref<16x128xf32, #tpu.memory_space<vmem_shared>>
        tpu.enqueue_dma source(%dma_start3A_47 : memref<16x128xf32, #tpu.memory_space<vmem_shared>>) target(%dma_start3A_44 : memref<16x128xf32, #tpu.memory_space<hbm>>) target_semaphore(%run_scoped3A_42 : memref<!tpu.dma_semaphore, #tpu.memory_space<semaphore_mem>>)
        %dma_wait3A = arith.constant 0 : i32
        %dma_wait3A_48 = tpu.memref_slice %arg6[%add3A_41, %dma_wait3A] : memref<20000x128xf32, #tpu.memory_space<hbm>> -> memref<16x128xf32, #tpu.memory_space<hbm>>
        %dma_wait3A_49 = arith.constant 9984 : i32
        %dma_wait3A_50 = arith.constant 0 : i32
        %dma_wait3A_51 = tpu.memref_slice %arg7[%dma_wait3A_49, %dma_wait3A_50] : memref<10000x128xf32, #tpu.memory_space<vmem_shared>> -> memref<16x128xf32, #tpu.memory_space<vmem_shared>>
        tpu.wait_dma2 semaphore(%run_scoped3A_42 : memref<!tpu.dma_semaphore, #tpu.memory_space<semaphore_mem>>) src(%dma_wait3A_51 : memref<16x128xf32, #tpu.memory_space<vmem_shared>>) dst(%dma_wait3A_48 : memref<16x128xf32, #tpu.memory_space<hbm>>)
        tpu.yield
      }) : () -> ()
    } else {
    }
    return
  }
}

#map = affine_map<(d0, d1) -> (0, 0)>
#map1 = affine_map<(d0, d1) -> (0, 0, 0, 0, 0)>
#map2 = affine_map<(d0, d1) -> (0, 0, 0, 0)>
module attributes {stable_mosaic.version = 14 : i64} {
  func.func @_prop_one(%arg0: i32, %arg1: i32, %arg2: memref<20000x128xf32, #tpu.memory_space<hbm>>, %arg3: memref<2x16x2x40x125xi32, #tpu.memory_space<hbm>>, %arg4: memref<16x2x40x125xi32, #tpu.memory_space<hbm>>, %arg5: memref<624x128xf32, #tpu.memory_space<hbm>>, %arg6: memref<20000x128xf32, #tpu.memory_space<hbm>>, %arg7: memref<10000x128xf32, #tpu.memory_space<vmem_shared>>, %arg8: memref<40x125xi32, #tpu.memory_space<vmem>>, %arg9: memref<40x125xi32, #tpu.memory_space<vmem>>, %arg10: memref<125x128xf32, #tpu.memory_space<vmem>>, %arg11: memref<125x128xf32, #tpu.memory_space<vmem>>, %arg12: memref<!tpu.dma_semaphore, #tpu.memory_space<semaphore_mem>>, %arg13: memref<!tpu.dma_semaphore, #tpu.memory_space<semaphore_mem>>) attributes {dimension_semantics = [#tpu.dimension_semantics<core_parallel>, #tpu.dimension_semantics<subcore_parallel>], iteration_bounds = array<i64: 2, 16>, scalar_prefetch = 0 : i64, scratch_operands = 7 : i64, tpu.core_type = #tpu.core_type<sc_vector_subcore>, window_params = [{transform_indices = #map}, {transform_indices = #map1}, {transform_indices = #map2}, {transform_indices = #map}, {transform_indices = #map}]} {
    %mul3A = arith.constant 624 : i32
    %mul3A_0 = arith.muli %arg1, %mul3A : i32
    "tpu.region"() ({
      %run_scoped3A_38 = tpu.sem_alloc : memref<!tpu.dma_semaphore, #tpu.memory_space<semaphore_mem>>
      %dma_start3A_39 = arith.constant 0 : i32
      %dma_start3A_40 = tpu.memref_slice %arg7[%mul3A_0, %dma_start3A_39] : memref<10000x128xf32, #tpu.memory_space<vmem_shared>> -> memref<624x128xf32, #tpu.memory_space<vmem_shared>>
      tpu.enqueue_dma source(%arg5 : memref<624x128xf32, #tpu.memory_space<hbm>>) target(%dma_start3A_40 : memref<624x128xf32, #tpu.memory_space<vmem_shared>>) target_semaphore(%run_scoped3A_38 : memref<!tpu.dma_semaphore, #tpu.memory_space<semaphore_mem>>)
      %dma_wait3A = arith.constant 0 : i32
      %dma_wait3A_41 = tpu.memref_slice %arg7[%mul3A_0, %dma_wait3A] : memref<10000x128xf32, #tpu.memory_space<vmem_shared>> -> memref<624x128xf32, #tpu.memory_space<vmem_shared>>
      tpu.wait_dma2 semaphore(%run_scoped3A_38 : memref<!tpu.dma_semaphore, #tpu.memory_space<semaphore_mem>>) src(%arg5 : memref<624x128xf32, #tpu.memory_space<hbm>>) dst(%dma_wait3A_41 : memref<624x128xf32, #tpu.memory_space<vmem_shared>>)
      tpu.yield
    }) : () -> ()
    %eq3A = arith.constant 15 : i32
    %eq3A_1 = arith.cmpi eq, %arg1, %eq3A : i32
    %convert_element_type3A = arith.extui %eq3A_1 : i1 to i32
    %cond3A = arith.constant 0 : i32
    %cond3A_2 = arith.cmpi ne, %convert_element_type3A, %cond3A : i32
    scf.if %cond3A_2 {
      "tpu.region"() ({
        %run_scoped3A_38 = tpu.sem_alloc : memref<!tpu.dma_semaphore, #tpu.memory_space<semaphore_mem>>
        %dma_start3A_39 = arith.constant 9984 : i32
        %dma_start3A_40 = arith.constant 0 : i32
        %dma_start3A_41 = tpu.memref_slice %arg7[%dma_start3A_39, %dma_start3A_40] : memref<10000x128xf32, #tpu.memory_space<vmem_shared>> -> memref<16x128xf32, #tpu.memory_space<vmem_shared>>
        %dma_start3A_42 = arith.constant 0 : i32
        %dma_start3A_43 = arith.constant 0 : i32
        %dma_start3A_44 = tpu.memref_slice %arg5[%dma_start3A_42, %dma_start3A_43] : memref<624x128xf32, #tpu.memory_space<hbm>> -> memref<16x128xf32, #tpu.memory_space<hbm>>
        tpu.enqueue_dma source(%dma_start3A_44 : memref<16x128xf32, #tpu.memory_space<hbm>>) target(%dma_start3A_41 : memref<16x128xf32, #tpu.memory_space<vmem_shared>>) target_semaphore(%run_scoped3A_38 : memref<!tpu.dma_semaphore, #tpu.memory_space<semaphore_mem>>)
        %dma_wait3A = arith.constant 9984 : i32
        %dma_wait3A_45 = arith.constant 0 : i32
        %dma_wait3A_46 = tpu.memref_slice %arg7[%dma_wait3A, %dma_wait3A_45] : memref<10000x128xf32, #tpu.memory_space<vmem_shared>> -> memref<16x128xf32, #tpu.memory_space<vmem_shared>>
        %dma_wait3A_47 = arith.constant 0 : i32
        %dma_wait3A_48 = arith.constant 0 : i32
        %dma_wait3A_49 = tpu.memref_slice %arg5[%dma_wait3A_47, %dma_wait3A_48] : memref<624x128xf32, #tpu.memory_space<hbm>> -> memref<16x128xf32, #tpu.memory_space<hbm>>
        tpu.wait_dma2 semaphore(%run_scoped3A_38 : memref<!tpu.dma_semaphore, #tpu.memory_space<semaphore_mem>>) src(%dma_wait3A_49 : memref<16x128xf32, #tpu.memory_space<hbm>>) dst(%dma_wait3A_46 : memref<16x128xf32, #tpu.memory_space<vmem_shared>>)
        tpu.yield
      }) : () -> ()
    } else {
    }
    %barrier3A = arith.constant 0 : index
    tpu.barrier barrier_id(%barrier3A)
    %run_scoped3A = arith.constant 0 : i32
    "tpu.region"() ({
      %run_scoped3A_38 = tpu.sem_alloc : memref<!tpu.dma_semaphore, #tpu.memory_space<semaphore_mem>>
      %dma_start3A_39 = arith.constant 0 : i32
      %dma_start3A_40 = arith.constant 0 : i32
      %dma_start3A_41 = tpu.memref_slice %arg3[%arg0, %arg1, %run_scoped3A, %dma_start3A_39, %dma_start3A_40] : memref<2x16x2x40x125xi32, #tpu.memory_space<hbm>> -> memref<1x1x1x40x125xi32, #tpu.memory_space<hbm>>
      %dma_start3A_42 = tpu.memref_squeeze %dma_start3A_41 : memref<1x1x1x40x125xi32, #tpu.memory_space<hbm>> -> memref<40x125xi32, #tpu.memory_space<hbm>>
      %dma_start3A_43 = arith.constant 0 : i32
      %dma_start3A_44 = arith.constant 0 : i32
      %dma_start3A_45 = tpu.memref_slice %arg3[%arg0, %arg1, %run_scoped3A, %dma_start3A_43, %dma_start3A_44] : memref<2x16x2x40x125xi32, #tpu.memory_space<hbm>> -> memref<1x1x1x40x125xi32, #tpu.memory_space<hbm>>
      %dma_start3A_46 = tpu.memref_squeeze %dma_start3A_45 : memref<1x1x1x40x125xi32, #tpu.memory_space<hbm>> -> memref<40x125xi32, #tpu.memory_space<hbm>>
      tpu.enqueue_dma source(%dma_start3A_46 : memref<40x125xi32, #tpu.memory_space<hbm>>) target(%arg8 : memref<40x125xi32, #tpu.memory_space<vmem>>) target_semaphore(%run_scoped3A_38 : memref<!tpu.dma_semaphore, #tpu.memory_space<semaphore_mem>>)
      %dma_wait3A = arith.constant 0 : i32
      %dma_wait3A_47 = arith.constant 0 : i32
      %dma_wait3A_48 = tpu.memref_slice %arg3[%arg0, %arg1, %run_scoped3A, %dma_wait3A, %dma_wait3A_47] : memref<2x16x2x40x125xi32, #tpu.memory_space<hbm>> -> memref<1x1x1x40x125xi32, #tpu.memory_space<hbm>>
      %dma_wait3A_49 = tpu.memref_squeeze %dma_wait3A_48 : memref<1x1x1x40x125xi32, #tpu.memory_space<hbm>> -> memref<40x125xi32, #tpu.memory_space<hbm>>
      %dma_wait3A_50 = arith.constant 0 : i32
      %dma_wait3A_51 = arith.constant 0 : i32
      %dma_wait3A_52 = tpu.memref_slice %arg3[%arg0, %arg1, %run_scoped3A, %dma_wait3A_50, %dma_wait3A_51] : memref<2x16x2x40x125xi32, #tpu.memory_space<hbm>> -> memref<1x1x1x40x125xi32, #tpu.memory_space<hbm>>
      %dma_wait3A_53 = tpu.memref_squeeze %dma_wait3A_52 : memref<1x1x1x40x125xi32, #tpu.memory_space<hbm>> -> memref<40x125xi32, #tpu.memory_space<hbm>>
      tpu.wait_dma2 semaphore(%run_scoped3A_38 : memref<!tpu.dma_semaphore, #tpu.memory_space<semaphore_mem>>) src(%dma_wait3A_53 : memref<40x125xi32, #tpu.memory_space<hbm>>) dst(%arg8 : memref<40x125xi32, #tpu.memory_space<vmem>>)
      tpu.yield
    }) : () -> ()
    %run_scoped3A_3 = arith.constant 0 : i32
    "tpu.region"() ({
      %run_scoped3A_38 = tpu.sem_alloc : memref<!tpu.dma_semaphore, #tpu.memory_space<semaphore_mem>>
      %dma_start3A_39 = arith.constant 0 : i32
      %dma_start3A_40 = arith.constant 0 : i32
      %dma_start3A_41 = tpu.memref_slice %arg4[%arg1, %run_scoped3A_3, %dma_start3A_39, %dma_start3A_40] : memref<16x2x40x125xi32, #tpu.memory_space<hbm>> -> memref<1x1x40x125xi32, #tpu.memory_space<hbm>>
      %dma_start3A_42 = tpu.memref_squeeze %dma_start3A_41 : memref<1x1x40x125xi32, #tpu.memory_space<hbm>> -> memref<40x125xi32, #tpu.memory_space<hbm>>
      %dma_start3A_43 = arith.constant 0 : i32
      %dma_start3A_44 = arith.constant 0 : i32
      %dma_start3A_45 = tpu.memref_slice %arg4[%arg1, %run_scoped3A_3, %dma_start3A_43, %dma_start3A_44] : memref<16x2x40x125xi32, #tpu.memory_space<hbm>> -> memref<1x1x40x125xi32, #tpu.memory_space<hbm>>
      %dma_start3A_46 = tpu.memref_squeeze %dma_start3A_45 : memref<1x1x40x125xi32, #tpu.memory_space<hbm>> -> memref<40x125xi32, #tpu.memory_space<hbm>>
      tpu.enqueue_dma source(%dma_start3A_46 : memref<40x125xi32, #tpu.memory_space<hbm>>) target(%arg9 : memref<40x125xi32, #tpu.memory_space<vmem>>) target_semaphore(%run_scoped3A_38 : memref<!tpu.dma_semaphore, #tpu.memory_space<semaphore_mem>>)
      %dma_wait3A = arith.constant 0 : i32
      %dma_wait3A_47 = arith.constant 0 : i32
      %dma_wait3A_48 = tpu.memref_slice %arg4[%arg1, %run_scoped3A_3, %dma_wait3A, %dma_wait3A_47] : memref<16x2x40x125xi32, #tpu.memory_space<hbm>> -> memref<1x1x40x125xi32, #tpu.memory_space<hbm>>
      %dma_wait3A_49 = tpu.memref_squeeze %dma_wait3A_48 : memref<1x1x40x125xi32, #tpu.memory_space<hbm>> -> memref<40x125xi32, #tpu.memory_space<hbm>>
      %dma_wait3A_50 = arith.constant 0 : i32
      %dma_wait3A_51 = arith.constant 0 : i32
      %dma_wait3A_52 = tpu.memref_slice %arg4[%arg1, %run_scoped3A_3, %dma_wait3A_50, %dma_wait3A_51] : memref<16x2x40x125xi32, #tpu.memory_space<hbm>> -> memref<1x1x40x125xi32, #tpu.memory_space<hbm>>
      %dma_wait3A_53 = tpu.memref_squeeze %dma_wait3A_52 : memref<1x1x40x125xi32, #tpu.memory_space<hbm>> -> memref<40x125xi32, #tpu.memory_space<hbm>>
      tpu.wait_dma2 semaphore(%run_scoped3A_38 : memref<!tpu.dma_semaphore, #tpu.memory_space<semaphore_mem>>) src(%dma_wait3A_53 : memref<40x125xi32, #tpu.memory_space<hbm>>) dst(%arg9 : memref<40x125xi32, #tpu.memory_space<vmem>>)
      tpu.yield
    }) : () -> ()
    %dma_start3A = arith.constant 0 : i32
    %dma_start3A_4 = arith.constant 0 : i32
    %dma_start3A_5 = tpu.memref_slice %arg8[%dma_start3A, %dma_start3A_4] : memref<40x125xi32, #tpu.memory_space<vmem>> -> memref<1x125xi32, #tpu.memory_space<vmem>>
    %dma_start3A_6 = tpu.memref_squeeze %dma_start3A_5 : memref<1x125xi32, #tpu.memory_space<vmem>> -> memref<125xi32, #tpu.memory_space<vmem>>
    %dma_start3A_7 = arith.constant 0 : i32
    %dma_start3A_8 = arith.constant 0 : i32
    %dma_start3A_9 = tpu.memref_slice %arg2[%dma_start3A_7, %dma_start3A_8] : memref<20000x128xf32, #tpu.memory_space<hbm>> -> memref<20000x128xf32, #tpu.memory_space<hbm>>
    tpu.enqueue_indirect_dma source(%dma_start3A_9 : memref<20000x128xf32, #tpu.memory_space<hbm>>) target(%arg10 : memref<125x128xf32, #tpu.memory_space<vmem>>) offsets(%dma_start3A_6 : memref<125xi32, #tpu.memory_space<vmem>>) semaphore(%arg12 : memref<!tpu.dma_semaphore, #tpu.memory_space<semaphore_mem>>)
    %scan3A = arith.constant 0 : i32
    %scan3A_10 = arith.constant 0 : i32
    %scan3A_11 = arith.constant 20 : i32
    %scan3A_12 = arith.addi %scan3A_10, %scan3A_11 : i32
    %scan3A_13 = arith.constant 1 : i32
    scf.for %scan3A_38 = %scan3A_10 to %scan3A_12 step %scan3A_13  : i32 {
      %mul3A_39 = arith.constant 2 : i32
      %mul3A_40 = arith.muli %mul3A_39, %scan3A_38 : i32
      %dma_wait3A = arith.constant 0 : i32
      %dma_wait3A_41 = tpu.memref_slice %arg8[%mul3A_40, %dma_wait3A] : memref<40x125xi32, #tpu.memory_space<vmem>> -> memref<1x125xi32, #tpu.memory_space<vmem>>
      %dma_wait3A_42 = tpu.memref_squeeze %dma_wait3A_41 : memref<1x125xi32, #tpu.memory_space<vmem>> -> memref<125xi32, #tpu.memory_space<vmem>>
      %dma_wait3A_43 = arith.constant 0 : i32
      %dma_wait3A_44 = arith.constant 0 : i32
      %dma_wait3A_45 = tpu.memref_slice %arg2[%dma_wait3A_43, %dma_wait3A_44] : memref<20000x128xf32, #tpu.memory_space<hbm>> -> memref<20000x128xf32, #tpu.memory_space<hbm>>
      tpu.wait_indirect_dma semaphore(%arg12 : memref<!tpu.dma_semaphore, #tpu.memory_space<semaphore_mem>>) src(%dma_wait3A_45 : memref<20000x128xf32, #tpu.memory_space<hbm>>) dst(%arg10 : memref<125x128xf32, #tpu.memory_space<vmem>>)
      %add3A_46 = arith.constant 1 : i32
      %add3A_47 = arith.addi %mul3A_40, %add3A_46 : i32
      %dma_start3A_48 = arith.constant 0 : i32
      %dma_start3A_49 = tpu.memref_slice %arg8[%add3A_47, %dma_start3A_48] : memref<40x125xi32, #tpu.memory_space<vmem>> -> memref<1x125xi32, #tpu.memory_space<vmem>>
      %dma_start3A_50 = tpu.memref_squeeze %dma_start3A_49 : memref<1x125xi32, #tpu.memory_space<vmem>> -> memref<125xi32, #tpu.memory_space<vmem>>
      %dma_start3A_51 = arith.constant 0 : i32
      %dma_start3A_52 = arith.constant 0 : i32
      %dma_start3A_53 = tpu.memref_slice %arg2[%dma_start3A_51, %dma_start3A_52] : memref<20000x128xf32, #tpu.memory_space<hbm>> -> memref<20000x128xf32, #tpu.memory_space<hbm>>
      tpu.enqueue_indirect_dma source(%dma_start3A_53 : memref<20000x128xf32, #tpu.memory_space<hbm>>) target(%arg11 : memref<125x128xf32, #tpu.memory_space<vmem>>) offsets(%dma_start3A_50 : memref<125xi32, #tpu.memory_space<vmem>>) semaphore(%arg13 : memref<!tpu.dma_semaphore, #tpu.memory_space<semaphore_mem>>)
      "tpu.region"() ({
        %run_scoped3A_68 = tpu.sem_alloc : memref<!tpu.dma_semaphore, #tpu.memory_space<semaphore_mem>>
        %dma_start3A_69 = arith.constant 0 : i32
        %dma_start3A_70 = tpu.memref_slice %arg9[%mul3A_40, %dma_start3A_69] : memref<40x125xi32, #tpu.memory_space<vmem>> -> memref<1x125xi32, #tpu.memory_space<vmem>>
        %dma_start3A_71 = tpu.memref_squeeze %dma_start3A_70 : memref<1x125xi32, #tpu.memory_space<vmem>> -> memref<125xi32, #tpu.memory_space<vmem>>
        %dma_start3A_72 = arith.constant 0 : i32
        %dma_start3A_73 = arith.constant 0 : i32
        %dma_start3A_74 = tpu.memref_slice %arg7[%dma_start3A_72, %dma_start3A_73] : memref<10000x128xf32, #tpu.memory_space<vmem_shared>> -> memref<10000x128xf32, #tpu.memory_space<vmem_shared>>
        tpu.enqueue_indirect_dma source(%arg10 : memref<125x128xf32, #tpu.memory_space<vmem>>) target(%dma_start3A_74 : memref<10000x128xf32, #tpu.memory_space<vmem_shared>>) offsets(%dma_start3A_71 : memref<125xi32, #tpu.memory_space<vmem>>) semaphore(%run_scoped3A_68 : memref<!tpu.dma_semaphore, #tpu.memory_space<semaphore_mem>>) {add = true}
        %dma_wait3A_75 = arith.constant 0 : i32
        %dma_wait3A_76 = tpu.memref_slice %arg9[%mul3A_40, %dma_wait3A_75] : memref<40x125xi32, #tpu.memory_space<vmem>> -> memref<1x125xi32, #tpu.memory_space<vmem>>
        %dma_wait3A_77 = tpu.memref_squeeze %dma_wait3A_76 : memref<1x125xi32, #tpu.memory_space<vmem>> -> memref<125xi32, #tpu.memory_space<vmem>>
        %dma_wait3A_78 = arith.constant 0 : i32
        %dma_wait3A_79 = arith.constant 0 : i32
        %dma_wait3A_80 = tpu.memref_slice %arg7[%dma_wait3A_78, %dma_wait3A_79] : memref<10000x128xf32, #tpu.memory_space<vmem_shared>> -> memref<10000x128xf32, #tpu.memory_space<vmem_shared>>
        tpu.wait_indirect_dma semaphore(%run_scoped3A_68 : memref<!tpu.dma_semaphore, #tpu.memory_space<semaphore_mem>>) src(%arg10 : memref<125x128xf32, #tpu.memory_space<vmem>>) dst(%dma_wait3A_80 : memref<10000x128xf32, #tpu.memory_space<vmem_shared>>)
        tpu.yield
      }) : () -> ()
      %add3A_54 = arith.constant 1 : i32
      %add3A_55 = arith.addi %mul3A_40, %add3A_54 : i32
      %dma_wait3A_56 = arith.constant 0 : i32
      %dma_wait3A_57 = tpu.memref_slice %arg8[%add3A_55, %dma_wait3A_56] : memref<40x125xi32, #tpu.memory_space<vmem>> -> memref<1x125xi32, #tpu.memory_space<vmem>>
      %dma_wait3A_58 = tpu.memref_squeeze %dma_wait3A_57 : memref<1x125xi32, #tpu.memory_space<vmem>> -> memref<125xi32, #tpu.memory_space<vmem>>
      %dma_wait3A_59 = arith.constant 0 : i32
      %dma_wait3A_60 = arith.constant 0 : i32
      %dma_wait3A_61 = tpu.memref_slice %arg2[%dma_wait3A_59, %dma_wait3A_60] : memref<20000x128xf32, #tpu.memory_space<hbm>> -> memref<20000x128xf32, #tpu.memory_space<hbm>>
      tpu.wait_indirect_dma semaphore(%arg13 : memref<!tpu.dma_semaphore, #tpu.memory_space<semaphore_mem>>) src(%dma_wait3A_61 : memref<20000x128xf32, #tpu.memory_space<hbm>>) dst(%arg11 : memref<125x128xf32, #tpu.memory_space<vmem>>)
      %lt3A = arith.constant 19 : i32
      %lt3A_62 = arith.cmpi slt, %scan3A_38, %lt3A : i32
      %convert_element_type3A_63 = arith.extui %lt3A_62 : i1 to i32
      %cond3A_64 = arith.constant 0 : i32
      %cond3A_65 = arith.cmpi ne, %convert_element_type3A_63, %cond3A_64 : i32
      scf.if %cond3A_65 {
        %add3A_68 = arith.constant 2 : i32
        %add3A_69 = arith.addi %mul3A_40, %add3A_68 : i32
        %dma_start3A_70 = arith.constant 0 : i32
        %dma_start3A_71 = tpu.memref_slice %arg8[%add3A_69, %dma_start3A_70] : memref<40x125xi32, #tpu.memory_space<vmem>> -> memref<1x125xi32, #tpu.memory_space<vmem>>
        %dma_start3A_72 = tpu.memref_squeeze %dma_start3A_71 : memref<1x125xi32, #tpu.memory_space<vmem>> -> memref<125xi32, #tpu.memory_space<vmem>>
        %dma_start3A_73 = arith.constant 0 : i32
        %dma_start3A_74 = arith.constant 0 : i32
        %dma_start3A_75 = tpu.memref_slice %arg2[%dma_start3A_73, %dma_start3A_74] : memref<20000x128xf32, #tpu.memory_space<hbm>> -> memref<20000x128xf32, #tpu.memory_space<hbm>>
        tpu.enqueue_indirect_dma source(%dma_start3A_75 : memref<20000x128xf32, #tpu.memory_space<hbm>>) target(%arg10 : memref<125x128xf32, #tpu.memory_space<vmem>>) offsets(%dma_start3A_72 : memref<125xi32, #tpu.memory_space<vmem>>) semaphore(%arg12 : memref<!tpu.dma_semaphore, #tpu.memory_space<semaphore_mem>>)
      } else {
      }
      %add3A_66 = arith.constant 1 : i32
      %add3A_67 = arith.addi %mul3A_40, %add3A_66 : i32
      "tpu.region"() ({
        %run_scoped3A_68 = tpu.sem_alloc : memref<!tpu.dma_semaphore, #tpu.memory_space<semaphore_mem>>
        %dma_start3A_69 = arith.constant 0 : i32
        %dma_start3A_70 = tpu.memref_slice %arg9[%add3A_67, %dma_start3A_69] : memref<40x125xi32, #tpu.memory_space<vmem>> -> memref<1x125xi32, #tpu.memory_space<vmem>>
        %dma_start3A_71 = tpu.memref_squeeze %dma_start3A_70 : memref<1x125xi32, #tpu.memory_space<vmem>> -> memref<125xi32, #tpu.memory_space<vmem>>
        %dma_start3A_72 = arith.constant 0 : i32
        %dma_start3A_73 = arith.constant 0 : i32
        %dma_start3A_74 = tpu.memref_slice %arg7[%dma_start3A_72, %dma_start3A_73] : memref<10000x128xf32, #tpu.memory_space<vmem_shared>> -> memref<10000x128xf32, #tpu.memory_space<vmem_shared>>
        tpu.enqueue_indirect_dma source(%arg11 : memref<125x128xf32, #tpu.memory_space<vmem>>) target(%dma_start3A_74 : memref<10000x128xf32, #tpu.memory_space<vmem_shared>>) offsets(%dma_start3A_71 : memref<125xi32, #tpu.memory_space<vmem>>) semaphore(%run_scoped3A_68 : memref<!tpu.dma_semaphore, #tpu.memory_space<semaphore_mem>>) {add = true}
        %dma_wait3A_75 = arith.constant 0 : i32
        %dma_wait3A_76 = tpu.memref_slice %arg9[%add3A_67, %dma_wait3A_75] : memref<40x125xi32, #tpu.memory_space<vmem>> -> memref<1x125xi32, #tpu.memory_space<vmem>>
        %dma_wait3A_77 = tpu.memref_squeeze %dma_wait3A_76 : memref<1x125xi32, #tpu.memory_space<vmem>> -> memref<125xi32, #tpu.memory_space<vmem>>
        %dma_wait3A_78 = arith.constant 0 : i32
        %dma_wait3A_79 = arith.constant 0 : i32
        %dma_wait3A_80 = tpu.memref_slice %arg7[%dma_wait3A_78, %dma_wait3A_79] : memref<10000x128xf32, #tpu.memory_space<vmem_shared>> -> memref<10000x128xf32, #tpu.memory_space<vmem_shared>>
        tpu.wait_indirect_dma semaphore(%run_scoped3A_68 : memref<!tpu.dma_semaphore, #tpu.memory_space<semaphore_mem>>) src(%arg11 : memref<125x128xf32, #tpu.memory_space<vmem>>) dst(%dma_wait3A_80 : memref<10000x128xf32, #tpu.memory_space<vmem_shared>>)
        tpu.yield
      }) : () -> ()
    }
    %scan3A_14 = arith.constant 20 : i32
    %run_scoped3A_15 = arith.constant 1 : i32
    "tpu.region"() ({
      %run_scoped3A_38 = tpu.sem_alloc : memref<!tpu.dma_semaphore, #tpu.memory_space<semaphore_mem>>
      %dma_start3A_39 = arith.constant 0 : i32
      %dma_start3A_40 = arith.constant 0 : i32
      %dma_start3A_41 = tpu.memref_slice %arg3[%arg0, %arg1, %run_scoped3A_15, %dma_start3A_39, %dma_start3A_40] : memref<2x16x2x40x125xi32, #tpu.memory_space<hbm>> -> memref<1x1x1x40x125xi32, #tpu.memory_space<hbm>>
      %dma_start3A_42 = tpu.memref_squeeze %dma_start3A_41 : memref<1x1x1x40x125xi32, #tpu.memory_space<hbm>> -> memref<40x125xi32, #tpu.memory_space<hbm>>
      %dma_start3A_43 = arith.constant 0 : i32
      %dma_start3A_44 = arith.constant 0 : i32
      %dma_start3A_45 = tpu.memref_slice %arg3[%arg0, %arg1, %run_scoped3A_15, %dma_start3A_43, %dma_start3A_44] : memref<2x16x2x40x125xi32, #tpu.memory_space<hbm>> -> memref<1x1x1x40x125xi32, #tpu.memory_space<hbm>>
      %dma_start3A_46 = tpu.memref_squeeze %dma_start3A_45 : memref<1x1x1x40x125xi32, #tpu.memory_space<hbm>> -> memref<40x125xi32, #tpu.memory_space<hbm>>
      tpu.enqueue_dma source(%dma_start3A_46 : memref<40x125xi32, #tpu.memory_space<hbm>>) target(%arg8 : memref<40x125xi32, #tpu.memory_space<vmem>>) target_semaphore(%run_scoped3A_38 : memref<!tpu.dma_semaphore, #tpu.memory_space<semaphore_mem>>)
      %dma_wait3A = arith.constant 0 : i32
      %dma_wait3A_47 = arith.constant 0 : i32
      %dma_wait3A_48 = tpu.memref_slice %arg3[%arg0, %arg1, %run_scoped3A_15, %dma_wait3A, %dma_wait3A_47] : memref<2x16x2x40x125xi32, #tpu.memory_space<hbm>> -> memref<1x1x1x40x125xi32, #tpu.memory_space<hbm>>
      %dma_wait3A_49 = tpu.memref_squeeze %dma_wait3A_48 : memref<1x1x1x40x125xi32, #tpu.memory_space<hbm>> -> memref<40x125xi32, #tpu.memory_space<hbm>>
      %dma_wait3A_50 = arith.constant 0 : i32
      %dma_wait3A_51 = arith.constant 0 : i32
      %dma_wait3A_52 = tpu.memref_slice %arg3[%arg0, %arg1, %run_scoped3A_15, %dma_wait3A_50, %dma_wait3A_51] : memref<2x16x2x40x125xi32, #tpu.memory_space<hbm>> -> memref<1x1x1x40x125xi32, #tpu.memory_space<hbm>>
      %dma_wait3A_53 = tpu.memref_squeeze %dma_wait3A_52 : memref<1x1x1x40x125xi32, #tpu.memory_space<hbm>> -> memref<40x125xi32, #tpu.memory_space<hbm>>
      tpu.wait_dma2 semaphore(%run_scoped3A_38 : memref<!tpu.dma_semaphore, #tpu.memory_space<semaphore_mem>>) src(%dma_wait3A_53 : memref<40x125xi32, #tpu.memory_space<hbm>>) dst(%arg8 : memref<40x125xi32, #tpu.memory_space<vmem>>)
      tpu.yield
    }) : () -> ()
    %run_scoped3A_16 = arith.constant 1 : i32
    "tpu.region"() ({
      %run_scoped3A_38 = tpu.sem_alloc : memref<!tpu.dma_semaphore, #tpu.memory_space<semaphore_mem>>
      %dma_start3A_39 = arith.constant 0 : i32
      %dma_start3A_40 = arith.constant 0 : i32
      %dma_start3A_41 = tpu.memref_slice %arg4[%arg1, %run_scoped3A_16, %dma_start3A_39, %dma_start3A_40] : memref<16x2x40x125xi32, #tpu.memory_space<hbm>> -> memref<1x1x40x125xi32, #tpu.memory_space<hbm>>
      %dma_start3A_42 = tpu.memref_squeeze %dma_start3A_41 : memref<1x1x40x125xi32, #tpu.memory_space<hbm>> -> memref<40x125xi32, #tpu.memory_space<hbm>>
      %dma_start3A_43 = arith.constant 0 : i32
      %dma_start3A_44 = arith.constant 0 : i32
      %dma_start3A_45 = tpu.memref_slice %arg4[%arg1, %run_scoped3A_16, %dma_start3A_43, %dma_start3A_44] : memref<16x2x40x125xi32, #tpu.memory_space<hbm>> -> memref<1x1x40x125xi32, #tpu.memory_space<hbm>>
      %dma_start3A_46 = tpu.memref_squeeze %dma_start3A_45 : memref<1x1x40x125xi32, #tpu.memory_space<hbm>> -> memref<40x125xi32, #tpu.memory_space<hbm>>
      tpu.enqueue_dma source(%dma_start3A_46 : memref<40x125xi32, #tpu.memory_space<hbm>>) target(%arg9 : memref<40x125xi32, #tpu.memory_space<vmem>>) target_semaphore(%run_scoped3A_38 : memref<!tpu.dma_semaphore, #tpu.memory_space<semaphore_mem>>)
      %dma_wait3A = arith.constant 0 : i32
      %dma_wait3A_47 = arith.constant 0 : i32
      %dma_wait3A_48 = tpu.memref_slice %arg4[%arg1, %run_scoped3A_16, %dma_wait3A, %dma_wait3A_47] : memref<16x2x40x125xi32, #tpu.memory_space<hbm>> -> memref<1x1x40x125xi32, #tpu.memory_space<hbm>>
      %dma_wait3A_49 = tpu.memref_squeeze %dma_wait3A_48 : memref<1x1x40x125xi32, #tpu.memory_space<hbm>> -> memref<40x125xi32, #tpu.memory_space<hbm>>
      %dma_wait3A_50 = arith.constant 0 : i32
      %dma_wait3A_51 = arith.constant 0 : i32
      %dma_wait3A_52 = tpu.memref_slice %arg4[%arg1, %run_scoped3A_16, %dma_wait3A_50, %dma_wait3A_51] : memref<16x2x40x125xi32, #tpu.memory_space<hbm>> -> memref<1x1x40x125xi32, #tpu.memory_space<hbm>>
      %dma_wait3A_53 = tpu.memref_squeeze %dma_wait3A_52 : memref<1x1x40x125xi32, #tpu.memory_space<hbm>> -> memref<40x125xi32, #tpu.memory_space<hbm>>
      tpu.wait_dma2 semaphore(%run_scoped3A_38 : memref<!tpu.dma_semaphore, #tpu.memory_space<semaphore_mem>>) src(%dma_wait3A_53 : memref<40x125xi32, #tpu.memory_space<hbm>>) dst(%arg9 : memref<40x125xi32, #tpu.memory_space<vmem>>)
      tpu.yield
    }) : () -> ()
    %dma_start3A_17 = arith.constant 0 : i32
    %dma_start3A_18 = arith.constant 0 : i32
    %dma_start3A_19 = tpu.memref_slice %arg8[%dma_start3A_17, %dma_start3A_18] : memref<40x125xi32, #tpu.memory_space<vmem>> -> memref<1x125xi32, #tpu.memory_space<vmem>>
    %dma_start3A_20 = tpu.memref_squeeze %dma_start3A_19 : memref<1x125xi32, #tpu.memory_space<vmem>> -> memref<125xi32, #tpu.memory_space<vmem>>
    %dma_start3A_21 = arith.constant 0 : i32
    %dma_start3A_22 = arith.constant 0 : i32
    %dma_start3A_23 = tpu.memref_slice %arg2[%dma_start3A_21, %dma_start3A_22] : memref<20000x128xf32, #tpu.memory_space<hbm>> -> memref<20000x128xf32, #tpu.memory_space<hbm>>
    tpu.enqueue_indirect_dma source(%dma_start3A_23 : memref<20000x128xf32, #tpu.memory_space<hbm>>) target(%arg10 : memref<125x128xf32, #tpu.memory_space<vmem>>) offsets(%dma_start3A_20 : memref<125xi32, #tpu.memory_space<vmem>>) semaphore(%arg12 : memref<!tpu.dma_semaphore, #tpu.memory_space<semaphore_mem>>)
    %scan3A_24 = arith.constant 0 : i32
    %scan3A_25 = arith.constant 0 : i32
    %scan3A_26 = arith.constant 20 : i32
    %scan3A_27 = arith.addi %scan3A_25, %scan3A_26 : i32
    %scan3A_28 = arith.constant 1 : i32
    scf.for %scan3A_38 = %scan3A_25 to %scan3A_27 step %scan3A_28  : i32 {
      %mul3A_39 = arith.constant 2 : i32
      %mul3A_40 = arith.muli %mul3A_39, %scan3A_38 : i32
      %dma_wait3A = arith.constant 0 : i32
      %dma_wait3A_41 = tpu.memref_slice %arg8[%mul3A_40, %dma_wait3A] : memref<40x125xi32, #tpu.memory_space<vmem>> -> memref<1x125xi32, #tpu.memory_space<vmem>>
      %dma_wait3A_42 = tpu.memref_squeeze %dma_wait3A_41 : memref<1x125xi32, #tpu.memory_space<vmem>> -> memref<125xi32, #tpu.memory_space<vmem>>
      %dma_wait3A_43 = arith.constant 0 : i32
      %dma_wait3A_44 = arith.constant 0 : i32
      %dma_wait3A_45 = tpu.memref_slice %arg2[%dma_wait3A_43, %dma_wait3A_44] : memref<20000x128xf32, #tpu.memory_space<hbm>> -> memref<20000x128xf32, #tpu.memory_space<hbm>>
      tpu.wait_indirect_dma semaphore(%arg12 : memref<!tpu.dma_semaphore, #tpu.memory_space<semaphore_mem>>) src(%dma_wait3A_45 : memref<20000x128xf32, #tpu.memory_space<hbm>>) dst(%arg10 : memref<125x128xf32, #tpu.memory_space<vmem>>)
      %add3A_46 = arith.constant 1 : i32
      %add3A_47 = arith.addi %mul3A_40, %add3A_46 : i32
      %dma_start3A_48 = arith.constant 0 : i32
      %dma_start3A_49 = tpu.memref_slice %arg8[%add3A_47, %dma_start3A_48] : memref<40x125xi32, #tpu.memory_space<vmem>> -> memref<1x125xi32, #tpu.memory_space<vmem>>
      %dma_start3A_50 = tpu.memref_squeeze %dma_start3A_49 : memref<1x125xi32, #tpu.memory_space<vmem>> -> memref<125xi32, #tpu.memory_space<vmem>>
      %dma_start3A_51 = arith.constant 0 : i32
      %dma_start3A_52 = arith.constant 0 : i32
      %dma_start3A_53 = tpu.memref_slice %arg2[%dma_start3A_51, %dma_start3A_52] : memref<20000x128xf32, #tpu.memory_space<hbm>> -> memref<20000x128xf32, #tpu.memory_space<hbm>>
      tpu.enqueue_indirect_dma source(%dma_start3A_53 : memref<20000x128xf32, #tpu.memory_space<hbm>>) target(%arg11 : memref<125x128xf32, #tpu.memory_space<vmem>>) offsets(%dma_start3A_50 : memref<125xi32, #tpu.memory_space<vmem>>) semaphore(%arg13 : memref<!tpu.dma_semaphore, #tpu.memory_space<semaphore_mem>>)
      "tpu.region"() ({
        %run_scoped3A_68 = tpu.sem_alloc : memref<!tpu.dma_semaphore, #tpu.memory_space<semaphore_mem>>
        %dma_start3A_69 = arith.constant 0 : i32
        %dma_start3A_70 = tpu.memref_slice %arg9[%mul3A_40, %dma_start3A_69] : memref<40x125xi32, #tpu.memory_space<vmem>> -> memref<1x125xi32, #tpu.memory_space<vmem>>
        %dma_start3A_71 = tpu.memref_squeeze %dma_start3A_70 : memref<1x125xi32, #tpu.memory_space<vmem>> -> memref<125xi32, #tpu.memory_space<vmem>>
        %dma_start3A_72 = arith.constant 0 : i32
        %dma_start3A_73 = arith.constant 0 : i32
        %dma_start3A_74 = tpu.memref_slice %arg7[%dma_start3A_72, %dma_start3A_73] : memref<10000x128xf32, #tpu.memory_space<vmem_shared>> -> memref<10000x128xf32, #tpu.memory_space<vmem_shared>>
        tpu.enqueue_indirect_dma source(%arg10 : memref<125x128xf32, #tpu.memory_space<vmem>>) target(%dma_start3A_74 : memref<10000x128xf32, #tpu.memory_space<vmem_shared>>) offsets(%dma_start3A_71 : memref<125xi32, #tpu.memory_space<vmem>>) semaphore(%run_scoped3A_68 : memref<!tpu.dma_semaphore, #tpu.memory_space<semaphore_mem>>) {add = true}
        %dma_wait3A_75 = arith.constant 0 : i32
        %dma_wait3A_76 = tpu.memref_slice %arg9[%mul3A_40, %dma_wait3A_75] : memref<40x125xi32, #tpu.memory_space<vmem>> -> memref<1x125xi32, #tpu.memory_space<vmem>>
        %dma_wait3A_77 = tpu.memref_squeeze %dma_wait3A_76 : memref<1x125xi32, #tpu.memory_space<vmem>> -> memref<125xi32, #tpu.memory_space<vmem>>
        %dma_wait3A_78 = arith.constant 0 : i32
        %dma_wait3A_79 = arith.constant 0 : i32
        %dma_wait3A_80 = tpu.memref_slice %arg7[%dma_wait3A_78, %dma_wait3A_79] : memref<10000x128xf32, #tpu.memory_space<vmem_shared>> -> memref<10000x128xf32, #tpu.memory_space<vmem_shared>>
        tpu.wait_indirect_dma semaphore(%run_scoped3A_68 : memref<!tpu.dma_semaphore, #tpu.memory_space<semaphore_mem>>) src(%arg10 : memref<125x128xf32, #tpu.memory_space<vmem>>) dst(%dma_wait3A_80 : memref<10000x128xf32, #tpu.memory_space<vmem_shared>>)
        tpu.yield
      }) : () -> ()
      %add3A_54 = arith.constant 1 : i32
      %add3A_55 = arith.addi %mul3A_40, %add3A_54 : i32
      %dma_wait3A_56 = arith.constant 0 : i32
      %dma_wait3A_57 = tpu.memref_slice %arg8[%add3A_55, %dma_wait3A_56] : memref<40x125xi32, #tpu.memory_space<vmem>> -> memref<1x125xi32, #tpu.memory_space<vmem>>
      %dma_wait3A_58 = tpu.memref_squeeze %dma_wait3A_57 : memref<1x125xi32, #tpu.memory_space<vmem>> -> memref<125xi32, #tpu.memory_space<vmem>>
      %dma_wait3A_59 = arith.constant 0 : i32
      %dma_wait3A_60 = arith.constant 0 : i32
      %dma_wait3A_61 = tpu.memref_slice %arg2[%dma_wait3A_59, %dma_wait3A_60] : memref<20000x128xf32, #tpu.memory_space<hbm>> -> memref<20000x128xf32, #tpu.memory_space<hbm>>
      tpu.wait_indirect_dma semaphore(%arg13 : memref<!tpu.dma_semaphore, #tpu.memory_space<semaphore_mem>>) src(%dma_wait3A_61 : memref<20000x128xf32, #tpu.memory_space<hbm>>) dst(%arg11 : memref<125x128xf32, #tpu.memory_space<vmem>>)
      %lt3A = arith.constant 19 : i32
      %lt3A_62 = arith.cmpi slt, %scan3A_38, %lt3A : i32
      %convert_element_type3A_63 = arith.extui %lt3A_62 : i1 to i32
      %cond3A_64 = arith.constant 0 : i32
      %cond3A_65 = arith.cmpi ne, %convert_element_type3A_63, %cond3A_64 : i32
      scf.if %cond3A_65 {
        %add3A_68 = arith.constant 2 : i32
        %add3A_69 = arith.addi %mul3A_40, %add3A_68 : i32
        %dma_start3A_70 = arith.constant 0 : i32
        %dma_start3A_71 = tpu.memref_slice %arg8[%add3A_69, %dma_start3A_70] : memref<40x125xi32, #tpu.memory_space<vmem>> -> memref<1x125xi32, #tpu.memory_space<vmem>>
        %dma_start3A_72 = tpu.memref_squeeze %dma_start3A_71 : memref<1x125xi32, #tpu.memory_space<vmem>> -> memref<125xi32, #tpu.memory_space<vmem>>
        %dma_start3A_73 = arith.constant 0 : i32
        %dma_start3A_74 = arith.constant 0 : i32
        %dma_start3A_75 = tpu.memref_slice %arg2[%dma_start3A_73, %dma_start3A_74] : memref<20000x128xf32, #tpu.memory_space<hbm>> -> memref<20000x128xf32, #tpu.memory_space<hbm>>
        tpu.enqueue_indirect_dma source(%dma_start3A_75 : memref<20000x128xf32, #tpu.memory_space<hbm>>) target(%arg10 : memref<125x128xf32, #tpu.memory_space<vmem>>) offsets(%dma_start3A_72 : memref<125xi32, #tpu.memory_space<vmem>>) semaphore(%arg12 : memref<!tpu.dma_semaphore, #tpu.memory_space<semaphore_mem>>)
      } else {
      }
      %add3A_66 = arith.constant 1 : i32
      %add3A_67 = arith.addi %mul3A_40, %add3A_66 : i32
      "tpu.region"() ({
        %run_scoped3A_68 = tpu.sem_alloc : memref<!tpu.dma_semaphore, #tpu.memory_space<semaphore_mem>>
        %dma_start3A_69 = arith.constant 0 : i32
        %dma_start3A_70 = tpu.memref_slice %arg9[%add3A_67, %dma_start3A_69] : memref<40x125xi32, #tpu.memory_space<vmem>> -> memref<1x125xi32, #tpu.memory_space<vmem>>
        %dma_start3A_71 = tpu.memref_squeeze %dma_start3A_70 : memref<1x125xi32, #tpu.memory_space<vmem>> -> memref<125xi32, #tpu.memory_space<vmem>>
        %dma_start3A_72 = arith.constant 0 : i32
        %dma_start3A_73 = arith.constant 0 : i32
        %dma_start3A_74 = tpu.memref_slice %arg7[%dma_start3A_72, %dma_start3A_73] : memref<10000x128xf32, #tpu.memory_space<vmem_shared>> -> memref<10000x128xf32, #tpu.memory_space<vmem_shared>>
        tpu.enqueue_indirect_dma source(%arg11 : memref<125x128xf32, #tpu.memory_space<vmem>>) target(%dma_start3A_74 : memref<10000x128xf32, #tpu.memory_space<vmem_shared>>) offsets(%dma_start3A_71 : memref<125xi32, #tpu.memory_space<vmem>>) semaphore(%run_scoped3A_68 : memref<!tpu.dma_semaphore, #tpu.memory_space<semaphore_mem>>) {add = true}
        %dma_wait3A_75 = arith.constant 0 : i32
        %dma_wait3A_76 = tpu.memref_slice %arg9[%add3A_67, %dma_wait3A_75] : memref<40x125xi32, #tpu.memory_space<vmem>> -> memref<1x125xi32, #tpu.memory_space<vmem>>
        %dma_wait3A_77 = tpu.memref_squeeze %dma_wait3A_76 : memref<1x125xi32, #tpu.memory_space<vmem>> -> memref<125xi32, #tpu.memory_space<vmem>>
        %dma_wait3A_78 = arith.constant 0 : i32
        %dma_wait3A_79 = arith.constant 0 : i32
        %dma_wait3A_80 = tpu.memref_slice %arg7[%dma_wait3A_78, %dma_wait3A_79] : memref<10000x128xf32, #tpu.memory_space<vmem_shared>> -> memref<10000x128xf32, #tpu.memory_space<vmem_shared>>
        tpu.wait_indirect_dma semaphore(%run_scoped3A_68 : memref<!tpu.dma_semaphore, #tpu.memory_space<semaphore_mem>>) src(%arg11 : memref<125x128xf32, #tpu.memory_space<vmem>>) dst(%dma_wait3A_80 : memref<10000x128xf32, #tpu.memory_space<vmem_shared>>)
        tpu.yield
      }) : () -> ()
    }
    %scan3A_29 = arith.constant 20 : i32
    %barrier3A_30 = arith.constant 0 : index
    tpu.barrier barrier_id(%barrier3A_30)
    %mul3A_31 = arith.constant 10000 : i32
    %mul3A_32 = arith.muli %arg0, %mul3A_31 : i32
    %add3A = arith.addi %mul3A_32, %mul3A_0 : i32
    "tpu.region"() ({
      %run_scoped3A_38 = tpu.sem_alloc : memref<!tpu.dma_semaphore, #tpu.memory_space<semaphore_mem>>
      %dma_start3A_39 = arith.constant 0 : i32
      %dma_start3A_40 = tpu.memref_slice %arg6[%add3A, %dma_start3A_39] : memref<20000x128xf32, #tpu.memory_space<hbm>> -> memref<624x128xf32, #tpu.memory_space<hbm>>
      %dma_start3A_41 = arith.constant 0 : i32
      %dma_start3A_42 = tpu.memref_slice %arg7[%mul3A_0, %dma_start3A_41] : memref<10000x128xf32, #tpu.memory_space<vmem_shared>> -> memref<624x128xf32, #tpu.memory_space<vmem_shared>>
      tpu.enqueue_dma source(%dma_start3A_42 : memref<624x128xf32, #tpu.memory_space<vmem_shared>>) target(%dma_start3A_40 : memref<624x128xf32, #tpu.memory_space<hbm>>) target_semaphore(%run_scoped3A_38 : memref<!tpu.dma_semaphore, #tpu.memory_space<semaphore_mem>>)
      %dma_wait3A = arith.constant 0 : i32
      %dma_wait3A_43 = tpu.memref_slice %arg6[%add3A, %dma_wait3A] : memref<20000x128xf32, #tpu.memory_space<hbm>> -> memref<624x128xf32, #tpu.memory_space<hbm>>
      %dma_wait3A_44 = arith.constant 0 : i32
      %dma_wait3A_45 = tpu.memref_slice %arg7[%mul3A_0, %dma_wait3A_44] : memref<10000x128xf32, #tpu.memory_space<vmem_shared>> -> memref<624x128xf32, #tpu.memory_space<vmem_shared>>
      tpu.wait_dma2 semaphore(%run_scoped3A_38 : memref<!tpu.dma_semaphore, #tpu.memory_space<semaphore_mem>>) src(%dma_wait3A_45 : memref<624x128xf32, #tpu.memory_space<vmem_shared>>) dst(%dma_wait3A_43 : memref<624x128xf32, #tpu.memory_space<hbm>>)
      tpu.yield
    }) : () -> ()
    %eq3A_33 = arith.constant 15 : i32
    %eq3A_34 = arith.cmpi eq, %arg1, %eq3A_33 : i32
    %convert_element_type3A_35 = arith.extui %eq3A_34 : i1 to i32
    %cond3A_36 = arith.constant 0 : i32
    %cond3A_37 = arith.cmpi ne, %convert_element_type3A_35, %cond3A_36 : i32
    scf.if %cond3A_37 {
      %mul3A_38 = arith.constant 10000 : i32
      %mul3A_39 = arith.muli %arg0, %mul3A_38 : i32
      %add3A_40 = arith.constant 9984 : i32
      %add3A_41 = arith.addi %mul3A_39, %add3A_40 : i32
      "tpu.region"() ({
        %run_scoped3A_42 = tpu.sem_alloc : memref<!tpu.dma_semaphore, #tpu.memory_space<semaphore_mem>>
        %dma_start3A_43 = arith.constant 0 : i32
        %dma_start3A_44 = tpu.memref_slice %arg6[%add3A_41, %dma_start3A_43] : memref<20000x128xf32, #tpu.memory_space<hbm>> -> memref<16x128xf32, #tpu.memory_space<hbm>>
        %dma_start3A_45 = arith.constant 9984 : i32
        %dma_start3A_46 = arith.constant 0 : i32
        %dma_start3A_47 = tpu.memref_slice %arg7[%dma_start3A_45, %dma_start3A_46] : memref<10000x128xf32, #tpu.memory_space<vmem_shared>> -> memref<16x128xf32, #tpu.memory_space<vmem_shared>>
        tpu.enqueue_dma source(%dma_start3A_47 : memref<16x128xf32, #tpu.memory_space<vmem_shared>>) target(%dma_start3A_44 : memref<16x128xf32, #tpu.memory_space<hbm>>) target_semaphore(%run_scoped3A_42 : memref<!tpu.dma_semaphore, #tpu.memory_space<semaphore_mem>>)
        %dma_wait3A = arith.constant 0 : i32
        %dma_wait3A_48 = tpu.memref_slice %arg6[%add3A_41, %dma_wait3A] : memref<20000x128xf32, #tpu.memory_space<hbm>> -> memref<16x128xf32, #tpu.memory_space<hbm>>
        %dma_wait3A_49 = arith.constant 9984 : i32
        %dma_wait3A_50 = arith.constant 0 : i32
        %dma_wait3A_51 = tpu.memref_slice %arg7[%dma_wait3A_49, %dma_wait3A_50] : memref<10000x128xf32, #tpu.memory_space<vmem_shared>> -> memref<16x128xf32, #tpu.memory_space<vmem_shared>>
        tpu.wait_dma2 semaphore(%run_scoped3A_42 : memref<!tpu.dma_semaphore, #tpu.memory_space<semaphore_mem>>) src(%dma_wait3A_51 : memref<16x128xf32, #tpu.memory_space<vmem_shared>>) dst(%dma_wait3A_48 : memref<16x128xf32, #tpu.memory_space<hbm>>)
        tpu.yield
      }) : () -> ()
    } else {
    }
    return
  }
}

module attributes {stable_mosaic.version = 14 : i64} {
  func.func @_mm_body(%arg0: i32, %arg1: memref<1000x256xf32, #tpu.memory_space<vmem>>, %arg2: memref<256x256xf32, #tpu.memory_space<vmem>>, %arg3: memref<1000x1xf32, #tpu.memory_space<vmem>>, %arg4: memref<2x1000x128xf32, #tpu.memory_space<vmem>>) attributes {dimension_semantics = [#tpu.dimension_semantics<arbitrary>], iteration_bounds = array<i64: 10>, scalar_prefetch = 0 : i64, scratch_operands = 0 : i64, tpu.core_type = #tpu.core_type<tc>, window_params = [{transform_indices = @transform_0, window_bounds = array<i64: 1000, 256>}, {pipeline_mode = #tpu.pipeline_mode<synchronous>, transform_indices = @transform_1, window_bounds = array<i64: 256, 256>}, {transform_indices = @transform_2, window_bounds = array<i64: 1000, 1>}, {transform_indices = @transform_3, window_bounds = array<i64: 2, 1000, 128>}]} {
    %get3A = arith.constant 0 : index
    %get3A_0 = arith.constant 0 : index
    %get3A_1 = vector.load %arg1[%get3A, %get3A_0] : memref<1000x256xf32, #tpu.memory_space<vmem>>, vector<1000x256xf32>
    %get3A_2 = arith.constant 0 : index
    %get3A_3 = arith.constant 0 : index
    %get3A_4 = vector.load %arg2[%get3A_2, %get3A_3] : memref<256x256xf32, #tpu.memory_space<vmem>>, vector<256x256xf32>
    %dot_general3A = arith.constant dense<0.000000e+00> : vector<1000x256xf32>
    %dot_general3A_5 = tpu.matmul %get3A_1, %get3A_4, %dot_general3A {dimension_numbers = #tpu.dot_dimension_numbers<[1], [0], [0], [1], [0, 0, 1, 1], [], []>, transpose_lhs_hint = false} : vector<1000x256xf32>, vector<256x256xf32>, vector<1000x256xf32> -> vector<1000x256xf32>
    %slice3A = vector.extract_strided_slice %dot_general3A_5 {offsets = [0, 0], sizes = [1000, 128], strides = [1, 1]} : vector<1000x256xf32> to vector<1000x128xf32>
    %get3A_6 = arith.constant 0 : index
    %get3A_7 = arith.constant 0 : index
    %get3A_8 = vector.load %arg3[%get3A_6, %get3A_7] : memref<1000x1xf32, #tpu.memory_space<vmem>>, vector<1000x1xf32>
    %mul3A = vector.broadcast %get3A_8 : vector<1000x1xf32> to vector<1000x128xf32>
    %mul3A_9 = arith.mulf %slice3A, %mul3A : vector<1000x128xf32>
    %swap3A = arith.constant 0 : index
    %swap3A_10 = arith.constant 0 : index
    %swap3A_11 = arith.constant 0 : index
    %swap3A_12 = vector.load %arg4[%swap3A, %swap3A_10, %swap3A_11] : memref<2x1000x128xf32, #tpu.memory_space<vmem>>, vector<1x1000x128xf32>
    %swap3A_13 = vector.shape_cast %swap3A_12 : vector<1x1000x128xf32> to vector<1000x128xf32>
    %swap3A_14 = vector.shape_cast %mul3A_9 : vector<1000x128xf32> to vector<1x1000x128xf32>
    tpu.vector_store %arg4[%swap3A, %swap3A_10, %swap3A_11], %swap3A_14 {strides = array<i32>} : memref<2x1000x128xf32, #tpu.memory_space<vmem>>, vector<1x1000x128xf32>,
    %slice3A_15 = vector.extract_strided_slice %dot_general3A_5 {offsets = [0, 128], sizes = [1000, 128], strides = [1, 1]} : vector<1000x256xf32> to vector<1000x128xf32>
    %get3A_16 = arith.constant 0 : index
    %get3A_17 = arith.constant 0 : index
    %get3A_18 = vector.load %arg3[%get3A_16, %get3A_17] : memref<1000x1xf32, #tpu.memory_space<vmem>>, vector<1000x1xf32>
    %mul3A_19 = vector.broadcast %get3A_18 : vector<1000x1xf32> to vector<1000x128xf32>
    %mul3A_20 = arith.mulf %slice3A_15, %mul3A_19 : vector<1000x128xf32>
    %swap3A_21 = arith.constant 1 : index
    %swap3A_22 = arith.constant 0 : index
    %swap3A_23 = arith.constant 0 : index
    %swap3A_24 = vector.load %arg4[%swap3A_21, %swap3A_22, %swap3A_23] : memref<2x1000x128xf32, #tpu.memory_space<vmem>>, vector<1x1000x128xf32>
    %swap3A_25 = vector.shape_cast %swap3A_24 : vector<1x1000x128xf32> to vector<1000x128xf32>
    %swap3A_26 = vector.shape_cast %mul3A_20 : vector<1000x128xf32> to vector<1x1000x128xf32>
    tpu.vector_store %arg4[%swap3A_21, %swap3A_22, %swap3A_23], %swap3A_26 {strides = array<i32>} : memref<2x1000x128xf32, #tpu.memory_space<vmem>>, vector<1x1000x128xf32>,
    return
  }
  func.func @transform_0(%arg0: i32) -> (i32, i32) {
    %c0_i32 = arith.constant 0 : i32
    %c0_i32_0 = arith.constant 0 : i32
    return %arg0, %c0_i32 : i32, i32
  }
  func.func @transform_1(%arg0: i32) -> (i32, i32) {
    %c0_i32 = arith.constant 0 : i32
    %c0_i32_0 = arith.constant 0 : i32
    %c0_i32_1 = arith.constant 0 : i32
    return %c0_i32, %c0_i32_0 : i32, i32
  }
  func.func @transform_2(%arg0: i32) -> (i32, i32) {
    %c0_i32 = arith.constant 0 : i32
    %c0_i32_0 = arith.constant 0 : i32
    return %arg0, %c0_i32 : i32, i32
  }
  func.func @transform_3(%arg0: i32) -> (i32, i32, i32) {
    %c0_i32 = arith.constant 0 : i32
    %c0_i32_0 = arith.constant 0 : i32
    %c0_i32_1 = arith.constant 0 : i32
    return %c0_i32, %arg0, %c0_i32_0 : i32, i32, i32
  }
}

module attributes {stable_mosaic.version = 14 : i64} {
  func.func @_cm_body(%arg0: i32, %arg1: memref<1000x128xf32, #tpu.memory_space<vmem>>, %arg2: memref<1000x128xf32, #tpu.memory_space<vmem>>, %arg3: memref<1000x128xf32, #tpu.memory_space<vmem>>, %arg4: memref<1000x128xf32, #tpu.memory_space<vmem>>, %arg5: memref<1000x1xf32, #tpu.memory_space<vmem>>, %arg6: memref<1000x1xf32, #tpu.memory_space<vmem>>, %arg7: memref<1x256xf32, #tpu.memory_space<vmem>>, %arg8: memref<1x256xf32, #tpu.memory_space<vmem>>, %arg9: memref<1000x256xf32, #tpu.memory_space<vmem>>) attributes {dimension_semantics = [#tpu.dimension_semantics<arbitrary>], iteration_bounds = array<i64: 10>, scalar_prefetch = 0 : i64, scratch_operands = 0 : i64, tpu.core_type = #tpu.core_type<tc>, window_params = [{transform_indices = @transform_0, window_bounds = array<i64: 1000, 128>}, {transform_indices = @transform_1, window_bounds = array<i64: 1000, 128>}, {transform_indices = @transform_2, window_bounds = array<i64: 1000, 128>}, {transform_indices = @transform_3, window_bounds = array<i64: 1000, 128>}, {transform_indices = @transform_4, window_bounds = array<i64: 1000, 1>}, {transform_indices = @transform_5, window_bounds = array<i64: 1000, 1>}, {pipeline_mode = #tpu.pipeline_mode<synchronous>, transform_indices = @transform_6, window_bounds = array<i64: 1, 256>}, {pipeline_mode = #tpu.pipeline_mode<synchronous>, transform_indices = @transform_7, window_bounds = array<i64: 1, 256>}, {transform_indices = @transform_8, window_bounds = array<i64: 1000, 256>}]} {
    %get3A = arith.constant 0 : index
    %get3A_0 = arith.constant 0 : index
    %get3A_1 = vector.load %arg1[%get3A, %get3A_0] : memref<1000x128xf32, #tpu.memory_space<vmem>>, vector<1000x128xf32>
    %get3A_2 = arith.constant 0 : index
    %get3A_3 = arith.constant 0 : index
    %get3A_4 = vector.load %arg2[%get3A_2, %get3A_3] : memref<1000x128xf32, #tpu.memory_space<vmem>>, vector<1000x128xf32>
    %concatenate3A = tpu.concatenate %get3A_1, %get3A_4 in 1 : vector<1000x128xf32>, vector<1000x128xf32> -> vector<1000x256xf32>
    %get3A_5 = arith.constant 0 : index
    %get3A_6 = arith.constant 0 : index
    %get3A_7 = vector.load %arg5[%get3A_5, %get3A_6] : memref<1000x1xf32, #tpu.memory_space<vmem>>, vector<1000x1xf32>
    %mul3A = vector.broadcast %get3A_7 : vector<1000x1xf32> to vector<1000x256xf32>
    %mul3A_8 = arith.mulf %concatenate3A, %mul3A : vector<1000x256xf32>
    %get3A_9 = arith.constant 0 : index
    %get3A_10 = arith.constant 0 : index
    %get3A_11 = vector.load %arg3[%get3A_9, %get3A_10] : memref<1000x128xf32, #tpu.memory_space<vmem>>, vector<1000x128xf32>
    %get3A_12 = arith.constant 0 : index
    %get3A_13 = arith.constant 0 : index
    %get3A_14 = vector.load %arg4[%get3A_12, %get3A_13] : memref<1000x128xf32, #tpu.memory_space<vmem>>, vector<1000x128xf32>
    %concatenate3A_15 = tpu.concatenate %get3A_11, %get3A_14 in 1 : vector<1000x128xf32>, vector<1000x128xf32> -> vector<1000x256xf32>
    %get3A_16 = arith.constant 0 : index
    %get3A_17 = arith.constant 0 : index
    %get3A_18 = vector.load %arg6[%get3A_16, %get3A_17] : memref<1000x1xf32, #tpu.memory_space<vmem>>, vector<1000x1xf32>
    %mul3A_19 = vector.broadcast %get3A_18 : vector<1000x1xf32> to vector<1000x256xf32>
    %mul3A_20 = arith.mulf %concatenate3A_15, %mul3A_19 : vector<1000x256xf32>
    %add3A = arith.addf %mul3A_8, %mul3A_20 : vector<1000x256xf32>
    %get3A_21 = arith.constant 0 : index
    %get3A_22 = arith.constant 0 : index
    %get3A_23 = vector.load %arg7[%get3A_21, %get3A_22] : memref<1x256xf32, #tpu.memory_space<vmem>>, vector<1x256xf32>
    %add3A_24 = vector.broadcast %get3A_23 : vector<1x256xf32> to vector<1000x256xf32>
    %add3A_25 = arith.addf %add3A, %add3A_24 : vector<1000x256xf32>
    %get3A_26 = arith.constant 0 : index
    %get3A_27 = arith.constant 0 : index
    %get3A_28 = vector.load %arg8[%get3A_26, %get3A_27] : memref<1x256xf32, #tpu.memory_space<vmem>>, vector<1x256xf32>
    %add3A_29 = vector.broadcast %get3A_28 : vector<1x256xf32> to vector<1000x256xf32>
    %add3A_30 = arith.addf %add3A_25, %add3A_29 : vector<1000x256xf32>
    %max3A = arith.constant 0.000000e+00 : f32
    %max3A_31 = vector.broadcast %max3A : f32 to vector<1000x256xf32>
    %max3A_32 = arith.maximumf %add3A_30, %max3A_31 : vector<1000x256xf32>
    %swap3A = arith.constant 0 : index
    %swap3A_33 = arith.constant 0 : index
    %swap3A_34 = vector.load %arg9[%swap3A, %swap3A_33] : memref<1000x256xf32, #tpu.memory_space<vmem>>, vector<1000x256xf32>
    tpu.vector_store %arg9[%swap3A, %swap3A_33], %max3A_32 {strides = array<i32>} : memref<1000x256xf32, #tpu.memory_space<vmem>>, vector<1000x256xf32>,
    return
  }
  func.func @transform_0(%arg0: i32) -> (i32, i32) {
    %c0_i32 = arith.constant 0 : i32
    %c0_i32_0 = arith.constant 0 : i32
    return %arg0, %c0_i32 : i32, i32
  }
  func.func @transform_1(%arg0: i32) -> (i32, i32) {
    %add3A = arith.constant 10 : i32
    %add3A_0 = arith.addi %add3A, %arg0 : i32
    %c0_i32 = arith.constant 0 : i32
    %c0_i32_1 = arith.constant 0 : i32
    return %add3A_0, %c0_i32 : i32, i32
  }
  func.func @transform_2(%arg0: i32) -> (i32, i32) {
    %c0_i32 = arith.constant 0 : i32
    %c0_i32_0 = arith.constant 0 : i32
    return %arg0, %c0_i32 : i32, i32
  }
  func.func @transform_3(%arg0: i32) -> (i32, i32) {
    %add3A = arith.constant 10 : i32
    %add3A_0 = arith.addi %add3A, %arg0 : i32
    %c0_i32 = arith.constant 0 : i32
    %c0_i32_1 = arith.constant 0 : i32
    return %add3A_0, %c0_i32 : i32, i32
  }
  func.func @transform_4(%arg0: i32) -> (i32, i32) {
    %c0_i32 = arith.constant 0 : i32
    %c0_i32_0 = arith.constant 0 : i32
    return %arg0, %c0_i32 : i32, i32
  }
  func.func @transform_5(%arg0: i32) -> (i32, i32) {
    %c0_i32 = arith.constant 0 : i32
    %c0_i32_0 = arith.constant 0 : i32
    return %arg0, %c0_i32 : i32, i32
  }
  func.func @transform_6(%arg0: i32) -> (i32, i32) {
    %c0_i32 = arith.constant 0 : i32
    %c0_i32_0 = arith.constant 0 : i32
    %c0_i32_1 = arith.constant 0 : i32
    return %c0_i32, %c0_i32_0 : i32, i32
  }
  func.func @transform_7(%arg0: i32) -> (i32, i32) {
    %c0_i32 = arith.constant 0 : i32
    %c0_i32_0 = arith.constant 0 : i32
    %c0_i32_1 = arith.constant 0 : i32
    return %c0_i32, %c0_i32_0 : i32, i32
  }
  func.func @transform_8(%arg0: i32) -> (i32, i32) {
    %c0_i32 = arith.constant 0 : i32
    %c0_i32_0 = arith.constant 0 : i32
    return %arg0, %c0_i32 : i32, i32
  }
}

</mosaic_0001>

<sc_bundles>
// kernel: kernel.10.cloned.1.call-start
scs
__scs_entry_jumppad:
0x0: {  	(pc) =	sbr.rel $0x88, $3  }
0x1: {  	(tag) =	ssettag $0x0;
	lr =	simm.s32 $0x1  }
0x2: {  	[smem:$0x3F97] =	sst lr;
	_ =	strace $0xD0000000  }
0x3: {  	_ = 	snop  }
0x4: {  	_ = 	snop  }
0x5: {  	_ = 	snop  }
0x6: {  	_ = 	snop  }
0x7: {  	_ = 	snop  }
__scs_overlays_trampoline_lowered:
0x8: {  	[smem:$0x3FA6] =	sst s0  }
0x9: {  	[smem:$0x3FA7] =	sst s1  }
0xa: {  	[smem:$0x3FA8] =	sst s2  }
0xb: {  	[smem:$0x3FA9] =	sst s3  }
0xc: {  	[smem:$0x3FAA] =	sst s4  }
0xd: {  	[smem:$0x3FAB] =	sst s5  }
0xe: {  	[smem:$0x3FAC] =	sst s6  }
0xf: {  	[smem:$0x3FAD] =	sst s7  }
0x10: {  	[smem:$0x3FAE] =	sst s8  }
0x11: {  	[smem:$0x3FAF] =	sst s9;
	s0 =	simm.s32 @!p0 $0x0  }
0x12: {  	s1 =	sld [smem:$0x3F95];
	s0 =	simm.s32 @p0 $0x1  }
0x13: {  	[smem:$0x3FB0] =	sst s0;
	s0 =	simm.s32 @!p1 $0x0  }
0x14: {  	s2 =	sld [smem:$0x3F94];
	s0 =	simm.s32 @p1 $0x1  }
0x15: {  	[smem:$0x3FB1] =	sst s0;
	s0 =	simm.s32 @!p2 $0x0  }
0x16: {  	s3 =	sld [smem:$0x3FDB];
	s0 =	simm.s32 @p2 $0x1  }
0x17: {  	s4 =	simm.s32 $0x1BF5;
	[smem:$0x3FB3] =	sst s0  }
0x18: {  	s0 =	sld [smem:$0x3F96];
	_ =	swait.ge [sflag:s4], $0x0  }
0x19: {  	s7 =	sld [smem:$0x3F97]  }
0x1a: {  	s8 =	sadd.s32 $0xFFFFE003, lr  }
0x1b: {  	s9 =	sadd.s32 $0xFFFFFEF7, lr;
	s5 =	simm.s32 $0xFFFFFFFF;
	p2 =	slt.u32 s8, $0xFFFFF086  }
0x1c: {  	p1 =	slt.u32 s9, $0xF7A;
	s5 =	simm.s32 @!p2 $0x0  }
0x1d: {  	s5 =	simm.s32 @p1 $0x1;
	p0 =	seq.s32 s7, s2  }
0x1e: {  	s7 =	smul.u32 @!p0 $0xF7A, s2;
	p2 =	seq.s32 @!p0 s5, $0x0  }
0x1f: {  	s9 =	smul.u32 $0xF7A, s1;
	s8 =	simm.s32 @!p0 $0x1BF5;
	p2 =	por !p2, p0  }
0x20: {  	[sflag:s8] =	ssyncset.s32 @!p0 $0xFFFFF086;
	s6 =	sadd.s32 @!p0 s3, s7;
	s7 =	simm.s32 @!p0 $0x108  }
0x21: {  	s3 =	sadd.s32 s3, s9;
	s6 =	sadd.s32 @!p0 $0x88, s6;
	s7 =	simm.s32 @p2 $0x1082  }
0x22: {  	[simem:s7], [sflag:s8] =	dma.local @!p0 [hbm:s6], $0xF7A  }
0x23: {  	s9 =	sor.u32 $0xD0000000, s2;
	s6 =	simm.s32 $0x108;
	_ =	swait.ge @!p0 [sflag:s8], $0x0  }
0x24: {  	s3 =	sadd.s32 $0x88, s3;
	s6 =	simm.s32 @!p1 $0x1082;
	[sflag:s4] =	ssyncset.s32 $0xFFFFF086  }
0x25: {  	[simem:s6], [sflag:s4] =	dma.local [hbm:s3], $0xF7A  }
0x26: {  	[smem:$0x3F97] =	sst s1;
	(tag) =	ssettag s2;
	_ =	strace s9  }
0x27: {  	s1 =	sld [smem:$0x3FA7]  }
0x28: {  	s2 =	sld [smem:$0x3FA8]  }
0x29: {  	s4 =	sld [smem:$0x3FAA]  }
0x2a: {  	p0 =	seq.s32 s5, $0x0;
	s5 =	sld [smem:$0x3FAB]  }
0x2b: {  	s6 =	sld [smem:$0x3FAC]  }
0x2c: {  	s7 =	sld [smem:$0x3FAD]  }
0x2d: {  	s3 =	simm.s32 $0x108;
	s8 =	sld [smem:$0x3FAE]  }
0x2e: {  	s3 =	simm.s32 @!p0 $0x1082;
	s9 =	sld [smem:$0x3FAF]  }
0x2f: {  	lr =	sadd.s32 s0, s3;
	s0 =	sld [smem:$0x3FA6]  }
0x30: {  	s3 =	sld [smem:$0x3FA9]  }
0x31: {  	[smem:$0x3FB2] =	sst s10  }
0x32: {  	s10 =	sld [smem:$0x3FB0];
	_ =	sdelay $0x3  }
0x33: {  	p0 =	seq.s32 s10, $0x1;
	s10 =	sld [smem:$0x3FB2];
	_ =	sdelay $0x3  }
0x34: {  	[smem:$0x3FB2] =	sst s10  }
0x35: {  	s10 =	sld [smem:$0x3FB1];
	_ =	sdelay $0x3  }
0x36: {  	p1 =	seq.s32 s10, $0x1;
	s10 =	sld [smem:$0x3FB2];
	_ =	sdelay $0x3  }
0x37: {  	[smem:$0x3FB2] =	sst s10  }
0x38: {  	s10 =	sld [smem:$0x3FB3]  }
0x39: {  	_ = 	snop;
	(pc) =	sbr.ind lr, $3  }
0x3a: {  	_ = 	snop  }
0x3b: {  	_ = 	snop  }
0x3c: {  	p2 =	seq.s32 s10, $0x1;
	s10 =	sld [smem:$0x3FB2]  }
0x3d: {  	_ =	shalt  }
0x3e: {  	_ =	shalt  }
0x3f: {  	_ =	shalt  }
0x40: {  	_ =	shalt  }
0x41: {  	_ =	shalt  }
0x42: {  	_ =	shalt  }
0x43: {  	_ =	shalt  }
0x44: {  	_ =	shalt  }
0x45: {  	_ =	shalt  }
0x46: {  	_ =	shalt  }
0x47: {  	_ =	shalt  }
0x48: {  	_ =	shalt  }
0x49: {  	_ =	shalt  }
0x4a: {  	_ =	shalt  }
0x4b: {  	_ =	shalt  }
0x4c: {  	_ =	shalt  }
0x4d: {  	_ =	shalt  }
0x4e: {  	_ =	shalt  }
0x4f: {  	_ =	shalt  }
0x50: {  	_ =	shalt  }
0x51: {  	_ =	shalt  }
0x52: {  	_ =	shalt  }
0x53: {  	_ =	shalt  }
0x54: {  	_ =	shalt  }
0x55: {  	_ =	shalt  }
0x56: {  	_ =	shalt  }
0x57: {  	_ =	shalt  }
0x58: {  	_ =	shalt  }
0x59: {  	_ =	shalt  }
0x5a: {  	_ =	shalt  }
0x5b: {  	_ =	shalt  }
0x5c: {  	_ =	shalt  }
0x5d: {  	_ =	shalt  }
0x5e: {  	_ =	shalt  }
0x5f: {  	_ =	shalt  }
0x60: {  	_ =	shalt  }
0x61: {  	_ =	shalt  }
0x62: {  	_ =	shalt  }
0x63: {  	_ =	shalt  }
0x64: {  	_ =	shalt  }
0x65: {  	_ =	shalt  }
0x66: {  	_ =	shalt  }
0x67: {  	_ =	shalt  }
0x68: {  	_ =	shalt  }
0x69: {  	_ =	shalt  }
0x6a: {  	_ =	shalt  }
0x6b: {  	_ =	shalt  }
0x6c: {  	_ =	shalt  }
0x6d: {  	_ =	shalt  }
0x6e: {  	_ =	shalt  }
0x6f: {  	_ =	shalt  }
0x70: {  	_ =	shalt  }
0x71: {  	_ =	shalt  }
0x72: {  	_ =	shalt  }
0x73: {  	_ =	shalt  }
0x74: {  	_ =	shalt  }
0x75: {  	_ =	shalt  }
0x76: {  	_ =	shalt  }
0x77: {  	_ =	shalt  }
0x78: {  	_ =	shalt  }
0x79: {  	_ =	shalt  }
0x7a: {  	_ =	shalt  }
0x7b: {  	_ =	shalt  }
0x7c: {  	_ =	shalt  }
0x7d: {  	_ =	shalt  }
0x7e: {  	_ =	shalt  }
0x7f: {  	_ =	shalt  }
0x80: {  	_ =	shalt  }
0x81: {  	_ =	shalt  }
0x82: {  	_ =	shalt  }
0x83: {  	_ =	shalt  }
0x84: {  	_ =	shalt  }
0x85: {  	_ =	shalt  }
0x86: {  	_ =	shalt  }
0x87: {  	_ =	shalt  }
.Lfunc_end0:
.L_simem_size_0:
called_computation.1_lowered:
.L_overlay_start_0:
0x88: {  	s2 =	sld [smem:$0x3FD9]  }
0x89: {  	s3 =	sld [smem:$0x3FFE];
	_ =	sdelay $0x1  }
0x8a: {  	s1 =	srdreg.scid  }
0x8b: {  	s0 =	sand.u32 $0x1, s1  }
0x8c: {  	s16 =	sshll.u32 s0, $0xA;
	s2 =	sadd.s32 s3, s2  }
0x8d: {  	s2 =	sadd.s32 s2, s16  }
0x8e: {  	[smem:$0x3FBE] =	sst s2  }
0x8f: {  	_ = 	snop  }
0x90: {  	(tm) =	ssettm $0x1  }
0x91: {  	s17 =	sld [smem:$0x3FFB];
	_ =	sdelay $0x3  }
0x92: {  	_ =	strace s17  }
0x93: {  	s2 =	sld [smem:$0x3FFC];
	_ =	sdelay $0x3  }
0x94: {  	_ =	strace s2  }
0x95: {  	s2 =	sld [smem:$0x3FFD];
	_ =	sdelay $0x3  }
0x96: {  	_ =	strace s2  }
0x97: {  	_ =	strace $0x8FFFFFFF  }
0x98: {  	s18 =	sld [smem:$0x3FDB];
	_ =	sdelay $0x1  }
0x99: {  	s19 =	simm.s32 $_scs_section_size  }
0x9a: {  	s4 =	simm.s32 $_size__tile_overlayer_lowered;
	s5 =	simm.s32 $_tile_overlayer_lowered  }
0x9b: {  	s22 =	simm.s32 $0x1BFF;
	s21 =	sshll.u32 s5, $0x1;
	s2 =	sadd.s32 s19, s18  }
0x9c: {  	s6 =	simm.s32 $0x0;
	s20 =	sshll.u32 s4, $0x1;
	s4 =	sadd.s32 s21, s2  }
0x9d: {  	[timem:s6], [sflag:s22] =	dma.local [hbm:s4], s20  }
0x9e: {  	_ =	swait.ge [sflag:s22], s20  }
0x9f: {  	s3 =	ssub.s32 $0x0, s20;
	[sflag:s22] =	ssyncset.done $0x0  }
0xa0: {  	[sflag:s22] =	ssyncadd.s32 s3;
	_ =	sdelay $0x1  }
0xa1: {  	s23 =	simm.s32 $0x1B8B  }
0xa2: {  	_ =	swait.ge [sflag:s23], $0x1  }
0xa3: {  	[sflag:s23] =	ssyncset.done $0x0  }
0xa4: {  	s25 =	simm.s32 $0x1B8E;
	s24 =	sld [smem:$0x3FFE];
	[sflag:s23] =	ssyncadd.s32 $0xFFFFFFFF  }
0xa5: {  	s26 =	simm.s32 $execute0_lowered;
	[smem:$0x3FD2] =	sst s25  }
0xa6: {  	s4 =	sshll.u32 s26, $0x1;
	_ =	strace $0x80000046;
	[dreg:$0x1] =	wrdreg $0xFFFFFFFF  }
0xa7: {  	s28 =	simm.s32 $_size_execute0_lowered;
	s2 =	sadd.s32 s2, s4;
	[dreg:$0x0] =	wrdreg $0x0  }
0xa8: {  	s4 =	sshll.u32 s28, $0x1;
	[dreg:$0x2] =	wrdreg s2  }
0xa9: {  	[dreg:$0x3] =	wrdreg s4  }
0xaa: {  	[dreg:$0x4] =	wrdreg $0xC0  }
0xab: {  	_ =	task [dreg:s6], $0x5FFFF  }
0xac: {  	[dreg:$0x1] =	wrdreg $0xFFFFFFFF  }
0xad: {  	[dreg:$0x0] =	wrdreg $0x60  }
0xae: {  	[dreg:$0x2] =	wrdreg s24  }
0xaf: {  	[dreg:$0x3] =	wrdreg $0x0  }
0xb0: {  	[dreg:$0x4] =	wrdreg $0xA  }
0xb1: {  	_ =	task.clear_ibuf [dreg:s6], $0x5FFFF;
	_ =	strace $0x90000046  }
0xb2: {  	s29 =	simm.s32 $0xA;
	_ =	strace $0x80000048  }
0xb3: {  	_ =	swait.ge [sflag:s29], $0x1  }
0xb4: {  	[sflag:s29] =	ssyncadd.s32 $0xFFFFFFFF  }
0xb5: {  	_ =	strace $0x90000048  }
0xb6: {  	_ =	sfence  }
0xb7: {  	s30 =	sld [smem:$0x0];
	_ =	sdelay $0x2  }
0xb8: {  	s31 =	sshll.u32 s1, $0xD;
	s1 =	sshrl.u32 s1, $0x2  }
0xb9: {  	s3 =	sand.u32 $0x4000, s31;
	s1 =	sadd.s32 s1, s30  }
0xba: {  	s0 =	sor.u32 s3, s0;
	s1 =	sshll.u32 s1, $0x11  }
0xbb: {  	s0 =	sor.u32 s1, s0  }
0xbc: {  	s0 =	sadd.s32 $0x8F2B, s0  }
0xbd: {  	[sflag:s0] =	ssyncadd.remote.s32 $0x1  }
0xbe: {  	_ =	sfence.sel $0xFFFF  }
0xbf: {  	[dreg:$0x0] =	wrdreg $0xFFFFFFFF;
	(pc) =	sbr.abs _section_cstart, $3  }
0xc0: {  	[dreg:$0x1] =	wrdreg $0xFFFFFFFF  }
0xc1: {  	_ =	task.clear_ibuf [dreg:s6], $0x2FFFF;
	_ =	strace $0x9FFFFFFF  }
0xc2: {  	(tm) =	ssettm $0x7FFFFFFF  }
0xc3: {  	_ =	shalt  }
tec
execute0_lowered:
.L_overlay_start_1:
0x0: {  	(tag) =	ssettag $0x1  }
0x1: {  	s8 =	rddreg [dreg:$0x0];
	s0 =	srdreg.scid  }
0x2: {  	s2 =	rddreg [dreg:$0x1];
	s1 =	stileid.u32  }
0x3: {  	s3 =	simm.s32 $0x0;
	s19 =	simm.s32 $0x7D;
	s20 =	simm.s32 $0x16080  }
0x4: {  	s21 =	simm.s32 $0x1;
	s22 =	simm.s32 $0x1A080;
	s23 =	simm.s32 $0x2  }
0x5: {  	s24 =	simm.s32 $0x14C00;
	s25 =	simm.s32 $0x15F80;
	s28 =	simm.s32 $0x0  }
0x6: {  	s9 =	sand.u32 $0x1, s0;
	s0 =	rddreg [dreg:$0x2];
	s10 =	smul.u32 $0x2800, s1  }
0x7: {  	[smem:$0x7FF] =	sst s3;
	s4 =	sadd.s32 $0xF000, s8;
	s7 =	smul.u32 $0x4E000, s1  }
0x8: {  	s13 =	sadd.s32 $0x5FA00, s8;
	s29 =	smul.u32 $0x2700, s1;
	s30 =	sshll.u32 s1, $0x6  }
0x9: {  	s16 =	sadd.s32 $0x138000, s2;
	p0 =	sne.s32 s1, $0xF;
	s5 =	smul.u32 $0x28000, s9  }
0xa: {  	_ =	strace $0x80000047;
	s6 =	ssub.s32 $0x2, s9;
	s17 =	smul.u32 $0x138800, s9  }
0xb: {  	s18 =	smul.u32 $0x27100, s9;
	s16 =	sshrl.u32 @!p0 s16, $0x3;
	s12 =	sshrl.u32 s6, $0x1  }
0xc: {  	s26 =	sshrl.u32 s7, $0x2;
	s5 =	sadd.s32 s10, s5;
	s14 =	ssub.s32 s6, s12  }
0xd: {  	s15 =	sadd.s32 s26, s2;
	s6 =	sor.u32 $0x1C03, s30;
	s10 =	sshrl.u32 s10, $0x3  }
0xe: {  	s31 =	sshrl.u32 s17, $0x3;
	s12 =	sadd.s32 s29, s18;
	s18 =	simm.s32 $0x14C80  }
0xf: {  	s26 =	simm.s32 $0x16000;
	s5 =	sshrl.u32 s5, $0x3;
	s17 =	sadd.s32 s13, s31  }
0x10: {  	s11 =	sadd.s32 s5, s8;
	s5 =	sadd.s32 $0x5D200, s8;
	s8 =	sadd.s32 s8, s10  }
0x11: {  	s7 =	sadd.s32 $0x5000, s11;
	s9 =	sadd.s32 $0x5280, s11;
	s10 =	sadd.s32 $0x280, s8  }
0x12: {  	s11 =	sadd.s32 s13, s12;
	s12 =	sadd.s32 $0x27000, s17;
	s13 =	smax.u32 s14, $0x1  }
0x13: {  	s14 =	sshrl.u32 s15, $0x3;
	s15 =	simm.s32 $0x3;
	s17 =	simm.s32 $0x13880  }
.LBB2_1:
0x14: {  	[spmem:s14], [sflag:s6] =	dma.local [hbm:s5], $0x2700  }
0x15: {  	_ =	swait.ge [sflag:s15], $0x2700  }
0x16: {  	[sflag:s15] =	ssyncset.done $0x0  }
0x17: {  	s29 =	simm.s32 @!p0 $0x3;
	[sflag:s15] =	ssyncadd.s32 $0xFFFFD900  }
0x18: {  	[spmem:s16], [sflag:s6] =	dma.local @!p0 [hbm:s5], $0x100  }
0x19: {  	_ =	swait.ge @!p0 [sflag:s29], $0x100  }
0x1a: {  	[sflag:s29] =	ssyncset.done @!p0 $0x0  }
0x1b: {  	[sflag:s29] =	ssyncadd.s32 @!p0 $0xFFFFFF00  }
0x1c: {  	[bflag:$0x0] =	sbarrier.arrive $0xFFFF  }
0x1d: {  	[tilespmem:s17], [sflag:$0x3] =	stream.linear.gather [hbm4b:s7+s3], $0x1400, $0x38;
	[tilespmem:$0x1E080] =	vst v63  }
0x1e: {  	_ =	swait.ge [sflag:s15], $0x1400  }
0x1f: {  	[sflag:s15] =	ssyncset.done $0x0  }
0x20: {  	[sflag:s15] =	ssyncadd.s32 $0xFFFFEC00  }
0x21: {  	[tilespmem:s18], [sflag:$0x3] =	stream.linear.gather [hbm4b:s8+s3], $0x1400, $0x38;
	[tilespmem:$0x1E080] =	vst v63  }
0x22: {  	_ =	swait.ge [sflag:s15], $0x1400  }
0x23: {  	[sflag:s15] =	ssyncset.done $0x0  }
0x24: {  	[sflag:s15] =	ssyncadd.s32 $0xFFFFEC00  }
0x25: {  	[tilespmem:s20], [sflag:$0x1] =	stream.indirect.gather [hbm4b:s4+s19], $0x80, s17, s19, $0xb8;
	[tilespmem:$0x1E080] =	vst v63  }
0x26: {  	_ =	swait.ge [sflag:s21], $0x3E80  }
0x27: {  	[sflag:s21] =	ssyncset.done $0x0  }
0x28: {  	s29 =	simm.s32 $0x13900;
	[sflag:s21] =	ssyncadd.s32 $0xFFFFC180  }
0x29: {  	[tilespmem:s22], [sflag:$0x2] =	stream.indirect.gather [hbm4b:s4+s19], $0x80, s29, s19, $0xb8;
	[tilespmem:$0x1E080] =	vst v63  }
0x2a: {  	s29 =	simm.s32 $0x14C80  }
0x2b: {  	[spmem:s2] =	stream.indirect.scatter.add.f32 [tilespmem:s20], [sflag:$0x3], $0x80, s29, s19, $0xb8;
	[tilespmem:$0x1E080] =	vst v63  }
0x2c: {  	_ =	swait.ge [sflag:s15], $0x3E80  }
0x2d: {  	[sflag:s15] =	ssyncset.done $0x0  }
0x2e: {  	[sflag:s15] =	ssyncadd.s32 $0xFFFFC180  }
0x2f: {  	_ =	swait.ge [sflag:s23], $0x3E80  }
0x30: {  	[sflag:s23] =	ssyncset.done $0x0  }
0x31: {  	s29 =	simm.s32 $0x13980;
	[sflag:s23] =	ssyncadd.s32 $0xFFFFC180  }
0x32: {  	[tilespmem:s20], [sflag:$0x1] =	stream.indirect.gather [hbm4b:s4+s19], $0x80, s29, s19, $0xb8;
	[tilespmem:$0x1E080] =	vst v63  }
0x33: {  	s29 =	simm.s32 $0x14D00  }
0x34: {  	[spmem:s2] =	stream.indirect.scatter.add.f32 [tilespmem:s22], [sflag:$0x3], $0x80, s29, s19, $0xb8;
	[tilespmem:$0x1E080] =	vst v63  }
0x35: {  	_ =	swait.ge [sflag:s15], $0x3E80  }
0x36: {  	s29 =	simm.s32 $0x400;
	[sflag:s15] =	ssyncset.done $0x0  }
.LBB2_2:
0x37: {  	p1 =	sne.s32 s29, $0x4800  }
0x38: {  	[sflag:s15] =	ssyncadd.s32 $0xFFFFC180;
	s30 =	smov.u32 s29;
	s29 =	sadd.s32 $0x400, s29  }
0x39: {  	_ = 	snop  }
0x3a: {  	_ =	swait.ge [sflag:s21], $0x3E80  }
0x3b: {  	s30 =	sshra.s32 s30, $0x2;
	[sflag:s21] =	ssyncset.done $0x0  }
0x3c: {  	s31 =	sadd.s32 $0x13900, s30;
	[sflag:s21] =	ssyncadd.s32 $0xFFFFC180  }
0x3d: {  	[tilespmem:s22], [sflag:$0x2] =	stream.indirect.gather [hbm4b:s4+s19], $0x80, s31, s19, $0xb8;
	[tilespmem:$0x1E080] =	vst v63  }
0x3e: {  	s31 =	sadd.s32 $0x14C80, s30  }
0x3f: {  	[spmem:s2] =	stream.indirect.scatter.add.f32 [tilespmem:s20], [sflag:$0x3], $0x80, s31, s19, $0xb8;
	[tilespmem:$0x1E080] =	vst v63  }
0x40: {  	_ =	swait.ge [sflag:s15], $0x3E80  }
0x41: {  	[sflag:s15] =	ssyncset.done $0x0  }
0x42: {  	[sflag:s15] =	ssyncadd.s32 $0xFFFFC180  }
0x43: {  	_ =	swait.ge [sflag:s23], $0x3E80  }
0x44: {  	[sflag:s23] =	ssyncset.done $0x0  }
0x45: {  	s31 =	sadd.s32 $0x13980, s30;
	[sflag:s23] =	ssyncadd.s32 $0xFFFFC180  }
0x46: {  	[tilespmem:s20], [sflag:$0x1] =	stream.indirect.gather [hbm4b:s4+s19], $0x80, s31, s19, $0xb8;
	[tilespmem:$0x1E080] =	vst v63  }
.Ltmp0:
0x47: {  	_ = 	snop;
	(pc) =	sbr.rel @p1 .LBB2_2-.Ltmp0, $4  }
0x48: {  	s30 =	sadd.s32 $0x14D00, s30  }
0x49: {  	[spmem:s2] =	stream.indirect.scatter.add.f32 [tilespmem:s22], [sflag:$0x3], $0x80, s30, s19, $0xb8;
	[tilespmem:$0x1E080] =	vst v63  }
0x4a: {  	_ =	swait.ge [sflag:s15], $0x3E80  }
0x4b: {  	[sflag:s15] =	ssyncset.done $0x0  }
0x4c: {  	[sflag:s15] =	ssyncadd.s32 $0xFFFFC180  }
0x4d: {  	_ =	swait.ge [sflag:s21], $0x3E80  }
0x4e: {  	[sflag:s21] =	ssyncset.done $0x0  }
0x4f: {  	[sflag:s21] =	ssyncadd.s32 $0xFFFFC180  }
0x50: {  	[tilespmem:s22], [sflag:$0x2] =	stream.indirect.gather [hbm4b:s4+s19], $0x80, s24, s19, $0xb8;
	[tilespmem:$0x1E080] =	vst v63  }
0x51: {  	_ = 	snop  }
0x52: {  	[spmem:s2] =	stream.indirect.scatter.add.f32 [tilespmem:s20], [sflag:$0x3], $0x80, s25, s19, $0xb8;
	[tilespmem:$0x1E080] =	vst v63  }
0x53: {  	_ =	swait.ge [sflag:s15], $0x3E80  }
0x54: {  	[sflag:s15] =	ssyncset.done $0x0  }
0x55: {  	[sflag:s15] =	ssyncadd.s32 $0xFFFFC180  }
0x56: {  	_ =	swait.ge [sflag:s23], $0x3E80  }
0x57: {  	[sflag:s23] =	ssyncset.done $0x0  }
0x58: {  	[sflag:s23] =	ssyncadd.s32 $0xFFFFC180  }
0x59: {  	[spmem:s2] =	stream.indirect.scatter.add.f32 [tilespmem:s22], [sflag:$0x3], $0x80, s26, s19, $0xb8;
	[tilespmem:$0x1E080] =	vst v63  }
0x5a: {  	_ =	swait.ge [sflag:s15], $0x3E80  }
0x5b: {  	[sflag:s15] =	ssyncset.done $0x0  }
0x5c: {  	s29 =	simm.s32 $0x0;
	[sflag:s15] =	ssyncadd.s32 $0xFFFFC180  }
0x5d: {  	[tilespmem:s17], [sflag:$0x3] =	stream.linear.gather [hbm4b:s9+s29], $0x1400, $0x38;
	[tilespmem:$0x1E080] =	vst v63  }
0x5e: {  	_ =	swait.ge [sflag:s15], $0x1400  }
0x5f: {  	[sflag:s15] =	ssyncset.done $0x0  }
0x60: {  	[sflag:s15] =	ssyncadd.s32 $0xFFFFEC00  }
0x61: {  	[tilespmem:s18], [sflag:$0x3] =	stream.linear.gather [hbm4b:s10+s29], $0x1400, $0x38;
	[tilespmem:$0x1E080] =	vst v63  }
0x62: {  	_ =	swait.ge [sflag:s15], $0x1400  }
0x63: {  	[sflag:s15] =	ssyncset.done $0x0  }
0x64: {  	[sflag:s15] =	ssyncadd.s32 $0xFFFFEC00  }
0x65: {  	[tilespmem:s20], [sflag:$0x1] =	stream.indirect.gather [hbm4b:s4+s19], $0x80, s17, s19, $0xb8;
	[tilespmem:$0x1E080] =	vst v63  }
0x66: {  	_ =	swait.ge [sflag:s21], $0x3E80  }
0x67: {  	[sflag:s21] =	ssyncset.done $0x0  }
0x68: {  	s29 =	simm.s32 $0x13900;
	[sflag:s21] =	ssyncadd.s32 $0xFFFFC180  }
0x69: {  	[tilespmem:s22], [sflag:$0x2] =	stream.indirect.gather [hbm4b:s4+s19], $0x80, s29, s19, $0xb8;
	[tilespmem:$0x1E080] =	vst v63  }
0x6a: {  	s29 =	simm.s32 $0x14C80  }
0x6b: {  	[spmem:s2] =	stream.indirect.scatter.add.f32 [tilespmem:s20], [sflag:$0x3], $0x80, s29, s19, $0xb8;
	[tilespmem:$0x1E080] =	vst v63  }
0x6c: {  	_ =	swait.ge [sflag:s15], $0x3E80  }
0x6d: {  	[sflag:s15] =	ssyncset.done $0x0  }
0x6e: {  	[sflag:s15] =	ssyncadd.s32 $0xFFFFC180  }
0x6f: {  	_ =	swait.ge [sflag:s23], $0x3E80  }
0x70: {  	[sflag:s23] =	ssyncset.done $0x0  }
0x71: {  	s29 =	simm.s32 $0x13980;
	[sflag:s23] =	ssyncadd.s32 $0xFFFFC180  }
0x72: {  	[tilespmem:s20], [sflag:$0x1] =	stream.indirect.gather [hbm4b:s4+s19], $0x80, s29, s19, $0xb8;
	[tilespmem:$0x1E080] =	vst v63  }
0x73: {  	s29 =	simm.s32 $0x14D00  }
0x74: {  	[spmem:s2] =	stream.indirect.scatter.add.f32 [tilespmem:s22], [sflag:$0x3], $0x80, s29, s19, $0xb8;
	[tilespmem:$0x1E080] =	vst v63  }
0x75: {  	_ =	swait.ge [sflag:s15], $0x3E80  }
0x76: {  	s29 =	simm.s32 $0x400;
	[sflag:s15] =	ssyncset.done $0x0  }
.LBB2_4:
0x77: {  	p1 =	sne.s32 s29, $0x4800  }
0x78: {  	[sflag:s15] =	ssyncadd.s32 $0xFFFFC180;
	s30 =	smov.u32 s29;
	s29 =	sadd.s32 $0x400, s29  }
0x79: {  	_ = 	snop  }
0x7a: {  	_ =	swait.ge [sflag:s21], $0x3E80  }
0x7b: {  	s30 =	sshra.s32 s30, $0x2;
	[sflag:s21] =	ssyncset.done $0x0  }
0x7c: {  	s31 =	sadd.s32 $0x13900, s30;
	[sflag:s21] =	ssyncadd.s32 $0xFFFFC180  }
0x7d: {  	[tilespmem:s22], [sflag:$0x2] =	stream.indirect.gather [hbm4b:s4+s19], $0x80, s31, s19, $0xb8;
	[tilespmem:$0x1E080] =	vst v63  }
0x7e: {  	s31 =	sadd.s32 $0x14C80, s30  }
0x7f: {  	[spmem:s2] =	stream.indirect.scatter.add.f32 [tilespmem:s20], [sflag:$0x3], $0x80, s31, s19, $0xb8;
	[tilespmem:$0x1E080] =	vst v63  }
0x80: {  	_ =	swait.ge [sflag:s15], $0x3E80  }
0x81: {  	[sflag:s15] =	ssyncset.done $0x0  }
0x82: {  	[sflag:s15] =	ssyncadd.s32 $0xFFFFC180  }
0x83: {  	_ =	swait.ge [sflag:s23], $0x3E80  }
0x84: {  	[sflag:s23] =	ssyncset.done $0x0  }
0x85: {  	s31 =	sadd.s32 $0x13980, s30;
	[sflag:s23] =	ssyncadd.s32 $0xFFFFC180  }
0x86: {  	[tilespmem:s20], [sflag:$0x1] =	stream.indirect.gather [hbm4b:s4+s19], $0x80, s31, s19, $0xb8;
	[tilespmem:$0x1E080] =	vst v63  }
.Ltmp1:
0x87: {  	_ = 	snop;
	(pc) =	sbr.rel @p1 .LBB2_4-.Ltmp1, $4  }
0x88: {  	s30 =	sadd.s32 $0x14D00, s30  }
0x89: {  	[spmem:s2] =	stream.indirect.scatter.add.f32 [tilespmem:s22], [sflag:$0x3], $0x80, s30, s19, $0xb8;
	[tilespmem:$0x1E080] =	vst v63  }
0x8a: {  	_ =	swait.ge [sflag:s15], $0x3E80  }
0x8b: {  	[sflag:s15] =	ssyncset.done $0x0  }
0x8c: {  	[sflag:s15] =	ssyncadd.s32 $0xFFFFC180  }
0x8d: {  	_ =	swait.ge [sflag:s21], $0x3E80  }
0x8e: {  	[sflag:s21] =	ssyncset.done $0x0  }
0x8f: {  	[sflag:s21] =	ssyncadd.s32 $0xFFFFC180  }
0x90: {  	[tilespmem:s22], [sflag:$0x2] =	stream.indirect.gather [hbm4b:s4+s19], $0x80, s24, s19, $0xb8;
	[tilespmem:$0x1E080] =	vst v63  }
0x91: {  	_ = 	snop  }
0x92: {  	[spmem:s2] =	stream.indirect.scatter.add.f32 [tilespmem:s20], [sflag:$0x3], $0x80, s25, s19, $0xb8;
	[tilespmem:$0x1E080] =	vst v63  }
0x93: {  	_ =	swait.ge [sflag:s15], $0x3E80  }
0x94: {  	[sflag:s15] =	ssyncset.done $0x0  }
0x95: {  	[sflag:s15] =	ssyncadd.s32 $0xFFFFC180  }
0x96: {  	_ =	swait.ge [sflag:s23], $0x3E80  }
0x97: {  	[sflag:s23] =	ssyncset.done $0x0  }
0x98: {  	[sflag:s23] =	ssyncadd.s32 $0xFFFFC180  }
0x99: {  	[spmem:s2] =	stream.indirect.scatter.add.f32 [tilespmem:s22], [sflag:$0x3], $0x80, s26, s19, $0xb8;
	[tilespmem:$0x1E080] =	vst v63  }
0x9a: {  	_ =	swait.ge [sflag:s15], $0x3E80  }
0x9b: {  	[sflag:s15] =	ssyncset.done $0x0  }
0x9c: {  	[sflag:s15] =	ssyncadd.s32 $0xFFFFC180  }
0x9d: {  	[bflag:$0x0] =	sbarrier.arrive $0xFFFF  }
0x9e: {  	[hbm:s11], [sflag:s6] =	dma.local [spmem:s14], $0x2700  }
0x9f: {  	s28 =	sadd.s32 $0x1, s28;
	_ =	swait.ge [sflag:s15], $0x2700  }
0xa0: {  	p1 =	sne.s32 s28, s13;
	[sflag:s15] =	ssyncset.done $0x0  }
.Ltmp2:
0xa1: {  	s29 =	simm.s32 @!p0 $0x3;
	[sflag:s15] =	ssyncadd.s32 $0xFFFFD900;
	(pc) =	sbr.rel @p1 .LBB2_1-.Ltmp2, $4  }
0xa2: {  	[hbm:s12], [sflag:s6] =	dma.local @!p0 [spmem:s16], $0x100  }
0xa3: {  	_ =	swait.ge @!p0 [sflag:s29], $0x100  }
0xa4: {  	[sflag:s29] =	ssyncset.done @!p0 $0x0  }
0xa5: {  	[sflag:s29] =	ssyncadd.s32 @!p0 $0xFFFFFF00  }
0xa6: {  	_ =	sfence.sel $0x180000  }
0xa7: {  	[bflag:$0x0] =	sbarrier.arrive $0xFFFF  }
0xa8: {  	p0 =	sne.s32 s1, $0x0;
	_ =	strace $0x90000047  }
0xa9: {  	s0 =	sadd.s32 @!p0 $0x100000, s0;
	[bflag:$0x2] =	sbarrier.arrive $0xFFFF  }
0xaa: {  	[sflag:s0] =	ssyncadd.tile.s32 @!p0 $0x1;
	_ =	shalt  }
.Lfunc_end2:
_tile_overlayer_lowered:
.L_overlay_start_2:
0xab: {  	(tag) =	ssettag $0x2  }
0xac: {  	s0 =	rddreg [dreg:$0x0];
	s2 =	stileid.u32  }
0xad: {  	s1 =	rddreg [dreg:$0x1];
	p0 =	sne.s32 s2, $0x0  }
0xae: {  	s3 =	rddreg [dreg:$0x2];
	[bflag:$0x3] =	sbarrier.arrive $0xFFFF;
	s2 =	simm.s32 @!p0 $0x1C03  }
0xaf: {  	[timem:s3], [sflag:s2] =	dma.local @!p0 [hbm:s0], s1  }
0xb0: {  	s0 =	simm.s32 @!p0 $0x3  }
0xb1: {  	_ =	swait.ge @!p0 [sflag:s0], s1  }
0xb2: {  	s1 =	ssub.s32 @!p0 $0x0, s1;
	[sflag:s0] =	ssyncset.done @!p0 $0x0  }
0xb3: {  	[sflag:s0] =	ssyncadd.s32 @!p0 s1  }
0xb4: {  	[bflag:$0x3] =	sbarrier.arrive $0xFFFF  }
0xb5: {  	_ =	shalt  }

// kernel: kernel.7.cloned.1.call-start
scs
__scs_entry_jumppad:
0x0: {  	(pc) =	sbr.rel $0x88, $3  }
0x1: {  	(tag) =	ssettag $0x0;
	lr =	simm.s32 $0x1  }
0x2: {  	[smem:$0x3F97] =	sst lr;
	_ =	strace $0xD0000000  }
0x3: {  	_ = 	snop  }
0x4: {  	_ = 	snop  }
0x5: {  	_ = 	snop  }
0x6: {  	_ = 	snop  }
0x7: {  	_ = 	snop  }
__scs_overlays_trampoline_lowered:
0x8: {  	[smem:$0x3FA6] =	sst s0  }
0x9: {  	[smem:$0x3FA7] =	sst s1  }
0xa: {  	[smem:$0x3FA8] =	sst s2  }
0xb: {  	[smem:$0x3FA9] =	sst s3  }
0xc: {  	[smem:$0x3FAA] =	sst s4  }
0xd: {  	[smem:$0x3FAB] =	sst s5  }
0xe: {  	[smem:$0x3FAC] =	sst s6  }
0xf: {  	[smem:$0x3FAD] =	sst s7  }
0x10: {  	[smem:$0x3FAE] =	sst s8  }
0x11: {  	[smem:$0x3FAF] =	sst s9;
	s0 =	simm.s32 @!p0 $0x0  }
0x12: {  	s1 =	sld [smem:$0x3F95];
	s0 =	simm.s32 @p0 $0x1  }
0x13: {  	[smem:$0x3FB0] =	sst s0;
	s0 =	simm.s32 @!p1 $0x0  }
0x14: {  	s2 =	sld [smem:$0x3F94];
	s0 =	simm.s32 @p1 $0x1  }
0x15: {  	[smem:$0x3FB1] =	sst s0;
	s0 =	simm.s32 @!p2 $0x0  }
0x16: {  	s3 =	sld [smem:$0x3FDB];
	s0 =	simm.s32 @p2 $0x1  }
0x17: {  	s4 =	simm.s32 $0x1BF5;
	[smem:$0x3FB3] =	sst s0  }
0x18: {  	s0 =	sld [smem:$0x3F96];
	_ =	swait.ge [sflag:s4], $0x0  }
0x19: {  	s7 =	sld [smem:$0x3F97]  }
0x1a: {  	s8 =	sadd.s32 $0xFFFFE003, lr  }
0x1b: {  	s9 =	sadd.s32 $0xFFFFFEF7, lr;
	s5 =	simm.s32 $0xFFFFFFFF;
	p2 =	slt.u32 s8, $0xFFFFF086  }
0x1c: {  	p1 =	slt.u32 s9, $0xF7A;
	s5 =	simm.s32 @!p2 $0x0  }
0x1d: {  	s5 =	simm.s32 @p1 $0x1;
	p0 =	seq.s32 s7, s2  }
0x1e: {  	s7 =	smul.u32 @!p0 $0xF7A, s2;
	p2 =	seq.s32 @!p0 s5, $0x0  }
0x1f: {  	s9 =	smul.u32 $0xF7A, s1;
	s8 =	simm.s32 @!p0 $0x1BF5;
	p2 =	por !p2, p0  }
0x20: {  	[sflag:s8] =	ssyncset.s32 @!p0 $0xFFFFF086;
	s6 =	sadd.s32 @!p0 s3, s7;
	s7 =	simm.s32 @!p0 $0x108  }
0x21: {  	s3 =	sadd.s32 s3, s9;
	s6 =	sadd.s32 @!p0 $0x88, s6;
	s7 =	simm.s32 @p2 $0x1082  }
0x22: {  	[simem:s7], [sflag:s8] =	dma.local @!p0 [hbm:s6], $0xF7A  }
0x23: {  	s9 =	sor.u32 $0xD0000000, s2;
	s6 =	simm.s32 $0x108;
	_ =	swait.ge @!p0 [sflag:s8], $0x0  }
0x24: {  	s3 =	sadd.s32 $0x88, s3;
	s6 =	simm.s32 @!p1 $0x1082;
	[sflag:s4] =	ssyncset.s32 $0xFFFFF086  }
0x25: {  	[simem:s6], [sflag:s4] =	dma.local [hbm:s3], $0xF7A  }
0x26: {  	[smem:$0x3F97] =	sst s1;
	(tag) =	ssettag s2;
	_ =	strace s9  }
0x27: {  	s1 =	sld [smem:$0x3FA7]  }
0x28: {  	s2 =	sld [smem:$0x3FA8]  }
0x29: {  	s4 =	sld [smem:$0x3FAA]  }
0x2a: {  	p0 =	seq.s32 s5, $0x0;
	s5 =	sld [smem:$0x3FAB]  }
0x2b: {  	s6 =	sld [smem:$0x3FAC]  }
0x2c: {  	s7 =	sld [smem:$0x3FAD]  }
0x2d: {  	s3 =	simm.s32 $0x108;
	s8 =	sld [smem:$0x3FAE]  }
0x2e: {  	s3 =	simm.s32 @!p0 $0x1082;
	s9 =	sld [smem:$0x3FAF]  }
0x2f: {  	lr =	sadd.s32 s0, s3;
	s0 =	sld [smem:$0x3FA6]  }
0x30: {  	s3 =	sld [smem:$0x3FA9]  }
0x31: {  	[smem:$0x3FB2] =	sst s10  }
0x32: {  	s10 =	sld [smem:$0x3FB0];
	_ =	sdelay $0x3  }
0x33: {  	p0 =	seq.s32 s10, $0x1;
	s10 =	sld [smem:$0x3FB2];
	_ =	sdelay $0x3  }
0x34: {  	[smem:$0x3FB2] =	sst s10  }
0x35: {  	s10 =	sld [smem:$0x3FB1];
	_ =	sdelay $0x3  }
0x36: {  	p1 =	seq.s32 s10, $0x1;
	s10 =	sld [smem:$0x3FB2];
	_ =	sdelay $0x3  }
0x37: {  	[smem:$0x3FB2] =	sst s10  }
0x38: {  	s10 =	sld [smem:$0x3FB3]  }
0x39: {  	_ = 	snop;
	(pc) =	sbr.ind lr, $3  }
0x3a: {  	_ = 	snop  }
0x3b: {  	_ = 	snop  }
0x3c: {  	p2 =	seq.s32 s10, $0x1;
	s10 =	sld [smem:$0x3FB2]  }
0x3d: {  	_ =	shalt  }
0x3e: {  	_ =	shalt  }
0x3f: {  	_ =	shalt  }
0x40: {  	_ =	shalt  }
0x41: {  	_ =	shalt  }
0x42: {  	_ =	shalt  }
0x43: {  	_ =	shalt  }
0x44: {  	_ =	shalt  }
0x45: {  	_ =	shalt  }
0x46: {  	_ =	shalt  }
0x47: {  	_ =	shalt  }
0x48: {  	_ =	shalt  }
0x49: {  	_ =	shalt  }
0x4a: {  	_ =	shalt  }
0x4b: {  	_ =	shalt  }
0x4c: {  	_ =	shalt  }
0x4d: {  	_ =	shalt  }
0x4e: {  	_ =	shalt  }
0x4f: {  	_ =	shalt  }
0x50: {  	_ =	shalt  }
0x51: {  	_ =	shalt  }
0x52: {  	_ =	shalt  }
0x53: {  	_ =	shalt  }
0x54: {  	_ =	shalt  }
0x55: {  	_ =	shalt  }
0x56: {  	_ =	shalt  }
0x57: {  	_ =	shalt  }
0x58: {  	_ =	shalt  }
0x59: {  	_ =	shalt  }
0x5a: {  	_ =	shalt  }
0x5b: {  	_ =	shalt  }
0x5c: {  	_ =	shalt  }
0x5d: {  	_ =	shalt  }
0x5e: {  	_ =	shalt  }
0x5f: {  	_ =	shalt  }
0x60: {  	_ =	shalt  }
0x61: {  	_ =	shalt  }
0x62: {  	_ =	shalt  }
0x63: {  	_ =	shalt  }
0x64: {  	_ =	shalt  }
0x65: {  	_ =	shalt  }
0x66: {  	_ =	shalt  }
0x67: {  	_ =	shalt  }
0x68: {  	_ =	shalt  }
0x69: {  	_ =	shalt  }
0x6a: {  	_ =	shalt  }
0x6b: {  	_ =	shalt  }
0x6c: {  	_ =	shalt  }
0x6d: {  	_ =	shalt  }
0x6e: {  	_ =	shalt  }
0x6f: {  	_ =	shalt  }
0x70: {  	_ =	shalt  }
0x71: {  	_ =	shalt  }
0x72: {  	_ =	shalt  }
0x73: {  	_ =	shalt  }
0x74: {  	_ =	shalt  }
0x75: {  	_ =	shalt  }
0x76: {  	_ =	shalt  }
0x77: {  	_ =	shalt  }
0x78: {  	_ =	shalt  }
0x79: {  	_ =	shalt  }
0x7a: {  	_ =	shalt  }
0x7b: {  	_ =	shalt  }
0x7c: {  	_ =	shalt  }
0x7d: {  	_ =	shalt  }
0x7e: {  	_ =	shalt  }
0x7f: {  	_ =	shalt  }
0x80: {  	_ =	shalt  }
0x81: {  	_ =	shalt  }
0x82: {  	_ =	shalt  }
0x83: {  	_ =	shalt  }
0x84: {  	_ =	shalt  }
0x85: {  	_ =	shalt  }
0x86: {  	_ =	shalt  }
0x87: {  	_ =	shalt  }
.Lfunc_end0:
.L_simem_size_0:
called_computation_lowered:
.L_overlay_start_0:
0x88: {  	s2 =	sld [smem:$0x3FD9]  }
0x89: {  	s3 =	sld [smem:$0x3FFE];
	_ =	sdelay $0x1  }
0x8a: {  	s1 =	srdreg.scid  }
0x8b: {  	s0 =	sand.u32 $0x1, s1  }
0x8c: {  	s17 =	sshll.u32 s0, $0xA;
	s2 =	sadd.s32 s3, s2  }
0x8d: {  	s2 =	sadd.s32 s2, s17  }
0x8e: {  	[smem:$0x3FBE] =	sst s2  }
0x8f: {  	_ = 	snop  }
0x90: {  	s18 =	sld [smem:$0x3FD0];
	(tm) =	ssettm $0x1  }
0x91: {  	s19 =	sld [smem:$0x3FFB];
	_ =	sdelay $0x3  }
0x92: {  	_ =	strace s19  }
0x93: {  	s2 =	sld [smem:$0x3FFC];
	_ =	sdelay $0x3  }
0x94: {  	_ =	strace s2  }
0x95: {  	s2 =	sld [smem:$0x3FFD];
	_ =	sdelay $0x3  }
0x96: {  	_ =	strace s2  }
0x97: {  	_ =	strace $0x8FFFFFFF  }
0x98: {  	s20 =	sld [smem:$0x3FDB];
	_ =	sdelay $0x1  }
0x99: {  	s4 =	simm.s32 $_scs_section_size  }
0x9a: {  	s5 =	simm.s32 $_size__tile_overlayer_lowered;
	s6 =	simm.s32 $_tile_overlayer_lowered  }
0x9b: {  	s7 =	simm.s32 $0x1BFF;
	s21 =	sshll.u32 s6, $0x1;
	s4 =	sadd.s32 s4, s20  }
0x9c: {  	s22 =	simm.s32 $0x0;
	s5 =	sshll.u32 s5, $0x1;
	s6 =	sadd.s32 s21, s4  }
0x9d: {  	[timem:s22], [sflag:s7] =	dma.local [hbm:s6], s5  }
0x9e: {  	_ =	swait.ge [sflag:s7], s5  }
0x9f: {  	s5 =	ssub.s32 $0x0, s5;
	[sflag:s7] =	ssyncset.done $0x0  }
0xa0: {  	[sflag:s7] =	ssyncadd.s32 s5;
	_ =	sdelay $0x1  }
0xa1: {  	s23 =	simm.s32 $0x1B8B  }
0xa2: {  	_ =	swait.ge [sflag:s23], $0x1  }
0xa3: {  	[sflag:s23] =	ssyncset.done $0x0  }
0xa4: {  	[sflag:s23] =	ssyncadd.s32 $0xFFFFFFFF  }
0xa5: {  	s5 =	sld [smem:$0x0]  }
0xa6: {  	s6 =	sand.u32 $0xFFFFFFFE, s1  }
0xa7: {  	p0 =	sne.s32 s1, s6  }
0xa8: {  	s6 =	sshll.u32 @p0 s6, $0xE  }
0xa9: {  	s6 =	sadd.s32 @p0 $0x11B8D, s6;
	s7 =	sshll.u32 @p0 s5, $0x11  }
0xaa: {  	s6 =	sor.u32 @p0 s7, s6  }
0xab: {  	[sflag:s6] =	ssyncadd.remote.s32 @p0 $0x1;
	_ =	sdelay $0x1  }
0xac: {  	s6 =	simm.s32 @p0 $0x1B8D  }
0xad: {  	_ =	swait.eq @p0 [sflag:s6], $0x1  }
0xae: {  	[sflag:s6] =	ssyncadd.s32 @p0 $0xFFFFFFFF  }
0xaf: {  	s7 =	sshll.u32 @!p0 s1, $0xE  }
0xb0: {  	s7 =	sor.u32 @!p0 $0x4000, s7;
	s6 =	simm.s32 @!p0 $0x1B8D  }
0xb1: {  	s5 =	sshll.u32 @!p0 s5, $0x11;
	s7 =	sadd.s32 @!p0 $0x11B8D, s7;
	_ =	swait.eq @!p0 [sflag:s6], $0x1  }
0xb2: {  	s5 =	sor.u32 @!p0 s5, s7;
	[sflag:s6] =	ssyncadd.s32 @!p0 $0xFFFFFFFF  }
0xb3: {  	s25 =	simm.s32 $0x1B8E;
	s24 =	sld [smem:$0x3FFE];
	[sflag:s5] =	ssyncadd.remote.s32 @!p0 $0x1  }
0xb4: {  	s26 =	simm.s32 $execute0_lowered;
	[smem:$0x3FD2] =	sst s25  }
0xb5: {  	s6 =	sshll.u32 s26, $0x1;
	_ =	strace $0x80000049;
	[dreg:$0x1] =	wrdreg $0xFFFFFFFF  }
0xb6: {  	s28 =	simm.s32 $_size_execute0_lowered;
	s4 =	sadd.s32 s4, s6;
	[dreg:$0x0] =	wrdreg $0x0  }
0xb7: {  	s6 =	sshll.u32 s28, $0x1;
	[dreg:$0x2] =	wrdreg s4  }
0xb8: {  	[dreg:$0x3] =	wrdreg s6  }
0xb9: {  	[dreg:$0x4] =	wrdreg $0xC0  }
0xba: {  	_ =	task [dreg:s22], $0x5FFFF  }
0xbb: {  	[dreg:$0x1] =	wrdreg $0xFFFFFFFF  }
0xbc: {  	[dreg:$0x0] =	wrdreg $0x60  }
0xbd: {  	[dreg:$0x2] =	wrdreg s18  }
0xbe: {  	[dreg:$0x3] =	wrdreg s24  }
0xbf: {  	[dreg:$0x4] =	wrdreg $0x0  }
0xc0: {  	[dreg:$0x5] =	wrdreg $0x9  }
0xc1: {  	_ =	task.clear_ibuf [dreg:s22], $0x6FFFF;
	_ =	strace $0x90000049  }
0xc2: {  	s29 =	simm.s32 $0x9;
	_ =	strace $0x8000004B  }
0xc3: {  	_ =	swait.ge [sflag:s29], $0x1  }
0xc4: {  	[sflag:s29] =	ssyncadd.s32 $0xFFFFFFFF  }
0xc5: {  	_ =	strace $0x9000004B  }
0xc6: {  	_ =	sfence  }
0xc7: {  	s30 =	sld [smem:$0x0];
	_ =	sdelay $0x2  }
0xc8: {  	s31 =	sshll.u32 s1, $0xD;
	s1 =	sshrl.u32 s1, $0x2  }
0xc9: {  	s4 =	sand.u32 $0x4000, s31;
	s1 =	sadd.s32 s1, s30  }
0xca: {  	s0 =	sor.u32 s4, s0;
	s1 =	sshll.u32 s1, $0x11  }
0xcb: {  	s0 =	sor.u32 s1, s0  }
0xcc: {  	s0 =	sadd.s32 $0x8F2B, s0  }
0xcd: {  	[sflag:s0] =	ssyncadd.remote.s32 $0x1  }
0xce: {  	_ =	sfence.sel $0xFFFF  }
0xcf: {  	[dreg:$0x0] =	wrdreg $0xFFFFFFFF;
	(pc) =	sbr.abs _section_cstart, $3  }
0xd0: {  	[dreg:$0x1] =	wrdreg $0xFFFFFFFF  }
0xd1: {  	_ =	task.clear_ibuf [dreg:s22], $0x2FFFF;
	_ =	strace $0x9FFFFFFF  }
0xd2: {  	(tm) =	ssettm $0x7FFFFFFF  }
0xd3: {  	_ =	shalt  }
tec
execute0_lowered:
.L_overlay_start_1:
0x0: {  	(tag) =	ssettag $0x1  }
0x1: {  	s1 =	rddreg [dreg:$0x0]  }
0x2: {  	s6 =	rddreg [dreg:$0x1]  }
0x3: {  	s3 =	rddreg [dreg:$0x2]  }
0x4: {  	s0 =	srdreg.scid;
	s2 =	rddreg [dreg:$0x3]  }
0x5: {  	s4 =	simm.s32 $0x0;
	s18 =	simm.s32 $0x14C80;
	s19 =	simm.s32 $0x7D  }
0x6: {  	s20 =	simm.s32 $0x16080;
	s21 =	simm.s32 $0x1;
	s8 =	sand.u32 $0x1, s0  }
0x7: {  	s22 =	simm.s32 $0x1A080;
	s0 =	stileid.u32;
	s5 =	smul.u32 $0x28000, s8  }
0x8: {  	s23 =	simm.s32 $0x2;
	s28 =	simm.s32 $0x0;
	s7 =	smul.u32 $0x2800, s0  }
0x9: {  	[smem:$0x7FF] =	sst s4;
	s13 =	sadd.s32 $0xBCC00, s6;
	s12 =	smul.u32 $0x4E000, s0  }
0xa: {  	s16 =	sadd.s32 $0x138000, s3;
	_ =	strace $0x8000004A;
	s26 =	smul.u32 $0x2700, s0  }
0xb: {  	s25 =	ssub.s32 $0x2, s8;
	s30 =	sshll.u32 s0, $0x6;
	s31 =	smul.u32 $0x138800, s8  }
0xc: {  	s17 =	smul.u32 $0x27100, s8;
	p0 =	sne.s32 s0, $0xF;
	s11 =	sshrl.u32 s25, $0x1  }
0xd: {  	s16 =	sshrl.u32 @!p0 s16, $0x3;
	s5 =	sadd.s32 s7, s5;
	s24 =	sshrl.u32 s7, $0x3  }
0xe: {  	s14 =	ssub.s32 s25, s11;
	s29 =	sshrl.u32 s12, $0x2;
	s12 =	sshrl.u32 s31, $0x3  }
0xf: {  	s11 =	sadd.s32 s26, s17;
	s17 =	simm.s32 $0x13880;
	s25 =	simm.s32 $0x15F80  }
0x10: {  	s26 =	simm.s32 $0x16000;
	s5 =	sshrl.u32 s5, $0x3;
	s10 =	sadd.s32 s24, s6  }
0x11: {  	s15 =	sadd.s32 s29, s3;
	s12 =	sadd.s32 s13, s12;
	s11 =	sadd.s32 s13, s11  }
0x12: {  	s13 =	smax.u32 s14, $0x1;
	s24 =	simm.s32 $0x14C00;
	s9 =	sadd.s32 s5, s6  }
0x13: {  	s5 =	sadd.s32 $0x5D200, s6;
	s6 =	sor.u32 $0x1C03, s30;
	s8 =	sadd.s32 $0xADC00, s10  }
0x14: {  	s10 =	sadd.s32 $0xADE80, s10;
	s12 =	sadd.s32 $0x27000, s12;
	s14 =	sshrl.u32 s15, $0x3  }
0x15: {  	s15 =	simm.s32 $0x3;
	s7 =	sadd.s32 $0xB2C00, s9;
	s9 =	sadd.s32 $0xB2E80, s9  }
.LBB2_1:
0x16: {  	[spmem:s14], [sflag:s6] =	dma.local [hbm:s5], $0x2700  }
0x17: {  	_ =	swait.ge [sflag:s15], $0x2700  }
0x18: {  	[sflag:s15] =	ssyncset.done $0x0  }
0x19: {  	s29 =	simm.s32 @!p0 $0x3;
	[sflag:s15] =	ssyncadd.s32 $0xFFFFD900  }
0x1a: {  	[spmem:s16], [sflag:s6] =	dma.local @!p0 [hbm:s5], $0x100  }
0x1b: {  	_ =	swait.ge @!p0 [sflag:s29], $0x100  }
0x1c: {  	[sflag:s29] =	ssyncset.done @!p0 $0x0  }
0x1d: {  	[sflag:s29] =	ssyncadd.s32 @!p0 $0xFFFFFF00  }
0x1e: {  	[bflag:$0x0] =	sbarrier.arrive $0xFFFF  }
0x1f: {  	[tilespmem:s17], [sflag:$0x3] =	stream.linear.gather [hbm4b:s7+s4], $0x1400, $0x38;
	[tilespmem:$0x1E080] =	vst v63  }
0x20: {  	_ =	swait.ge [sflag:s15], $0x1400  }
0x21: {  	[sflag:s15] =	ssyncset.done $0x0  }
0x22: {  	[sflag:s15] =	ssyncadd.s32 $0xFFFFEC00  }
0x23: {  	[tilespmem:s18], [sflag:$0x3] =	stream.linear.gather [hbm4b:s8+s4], $0x1400, $0x38;
	[tilespmem:$0x1E080] =	vst v63  }
0x24: {  	_ =	swait.ge [sflag:s15], $0x1400  }
0x25: {  	[sflag:s15] =	ssyncset.done $0x0  }
0x26: {  	[sflag:s15] =	ssyncadd.s32 $0xFFFFEC00  }
0x27: {  	[tilespmem:s20], [sflag:$0x1] =	stream.indirect.gather [hbm4b:s1+s19], $0x80, s17, s19, $0xb8;
	[tilespmem:$0x1E080] =	vst v63  }
0x28: {  	_ =	swait.ge [sflag:s21], $0x3E80  }
0x29: {  	[sflag:s21] =	ssyncset.done $0x0  }
0x2a: {  	s29 =	simm.s32 $0x13900;
	[sflag:s21] =	ssyncadd.s32 $0xFFFFC180  }
0x2b: {  	[tilespmem:s22], [sflag:$0x2] =	stream.indirect.gather [hbm4b:s1+s19], $0x80, s29, s19, $0xb8;
	[tilespmem:$0x1E080] =	vst v63  }
0x2c: {  	s29 =	simm.s32 $0x14C80  }
0x2d: {  	[spmem:s3] =	stream.indirect.scatter.add.f32 [tilespmem:s20], [sflag:$0x3], $0x80, s29, s19, $0xb8;
	[tilespmem:$0x1E080] =	vst v63  }
0x2e: {  	_ =	swait.ge [sflag:s15], $0x3E80  }
0x2f: {  	[sflag:s15] =	ssyncset.done $0x0  }
0x30: {  	[sflag:s15] =	ssyncadd.s32 $0xFFFFC180  }
0x31: {  	_ =	swait.ge [sflag:s23], $0x3E80  }
0x32: {  	[sflag:s23] =	ssyncset.done $0x0  }
0x33: {  	s29 =	simm.s32 $0x13980;
	[sflag:s23] =	ssyncadd.s32 $0xFFFFC180  }
0x34: {  	[tilespmem:s20], [sflag:$0x1] =	stream.indirect.gather [hbm4b:s1+s19], $0x80, s29, s19, $0xb8;
	[tilespmem:$0x1E080] =	vst v63  }
0x35: {  	s29 =	simm.s32 $0x14D00  }
0x36: {  	[spmem:s3] =	stream.indirect.scatter.add.f32 [tilespmem:s22], [sflag:$0x3], $0x80, s29, s19, $0xb8;
	[tilespmem:$0x1E080] =	vst v63  }
0x37: {  	_ =	swait.ge [sflag:s15], $0x3E80  }
0x38: {  	s29 =	simm.s32 $0x400;
	[sflag:s15] =	ssyncset.done $0x0  }
.LBB2_2:
0x39: {  	p1 =	sne.s32 s29, $0x4800  }
0x3a: {  	[sflag:s15] =	ssyncadd.s32 $0xFFFFC180;
	s30 =	smov.u32 s29;
	s29 =	sadd.s32 $0x400, s29  }
0x3b: {  	_ = 	snop  }
0x3c: {  	_ =	swait.ge [sflag:s21], $0x3E80  }
0x3d: {  	s30 =	sshra.s32 s30, $0x2;
	[sflag:s21] =	ssyncset.done $0x0  }
0x3e: {  	s31 =	sadd.s32 $0x13900, s30;
	[sflag:s21] =	ssyncadd.s32 $0xFFFFC180  }
0x3f: {  	[tilespmem:s22], [sflag:$0x2] =	stream.indirect.gather [hbm4b:s1+s19], $0x80, s31, s19, $0xb8;
	[tilespmem:$0x1E080] =	vst v63  }
0x40: {  	s31 =	sadd.s32 $0x14C80, s30  }
0x41: {  	[spmem:s3] =	stream.indirect.scatter.add.f32 [tilespmem:s20], [sflag:$0x3], $0x80, s31, s19, $0xb8;
	[tilespmem:$0x1E080] =	vst v63  }
0x42: {  	_ =	swait.ge [sflag:s15], $0x3E80  }
0x43: {  	[sflag:s15] =	ssyncset.done $0x0  }
0x44: {  	[sflag:s15] =	ssyncadd.s32 $0xFFFFC180  }
0x45: {  	_ =	swait.ge [sflag:s23], $0x3E80  }
0x46: {  	[sflag:s23] =	ssyncset.done $0x0  }
0x47: {  	s31 =	sadd.s32 $0x13980, s30;
	[sflag:s23] =	ssyncadd.s32 $0xFFFFC180  }
0x48: {  	[tilespmem:s20], [sflag:$0x1] =	stream.indirect.gather [hbm4b:s1+s19], $0x80, s31, s19, $0xb8;
	[tilespmem:$0x1E080] =	vst v63  }
.Ltmp0:
0x49: {  	_ = 	snop;
	(pc) =	sbr.rel @p1 .LBB2_2-.Ltmp0, $4  }
0x4a: {  	s30 =	sadd.s32 $0x14D00, s30  }
0x4b: {  	[spmem:s3] =	stream.indirect.scatter.add.f32 [tilespmem:s22], [sflag:$0x3], $0x80, s30, s19, $0xb8;
	[tilespmem:$0x1E080] =	vst v63  }
0x4c: {  	_ =	swait.ge [sflag:s15], $0x3E80  }
0x4d: {  	[sflag:s15] =	ssyncset.done $0x0  }
0x4e: {  	[sflag:s15] =	ssyncadd.s32 $0xFFFFC180  }
0x4f: {  	_ =	swait.ge [sflag:s21], $0x3E80  }
0x50: {  	[sflag:s21] =	ssyncset.done $0x0  }
0x51: {  	[sflag:s21] =	ssyncadd.s32 $0xFFFFC180  }
0x52: {  	[tilespmem:s22], [sflag:$0x2] =	stream.indirect.gather [hbm4b:s1+s19], $0x80, s24, s19, $0xb8;
	[tilespmem:$0x1E080] =	vst v63  }
0x53: {  	_ = 	snop  }
0x54: {  	[spmem:s3] =	stream.indirect.scatter.add.f32 [tilespmem:s20], [sflag:$0x3], $0x80, s25, s19, $0xb8;
	[tilespmem:$0x1E080] =	vst v63  }
0x55: {  	_ =	swait.ge [sflag:s15], $0x3E80  }
0x56: {  	[sflag:s15] =	ssyncset.done $0x0  }
0x57: {  	[sflag:s15] =	ssyncadd.s32 $0xFFFFC180  }
0x58: {  	_ =	swait.ge [sflag:s23], $0x3E80  }
0x59: {  	[sflag:s23] =	ssyncset.done $0x0  }
0x5a: {  	[sflag:s23] =	ssyncadd.s32 $0xFFFFC180  }
0x5b: {  	[spmem:s3] =	stream.indirect.scatter.add.f32 [tilespmem:s22], [sflag:$0x3], $0x80, s26, s19, $0xb8;
	[tilespmem:$0x1E080] =	vst v63  }
0x5c: {  	_ =	swait.ge [sflag:s15], $0x3E80  }
0x5d: {  	[sflag:s15] =	ssyncset.done $0x0  }
0x5e: {  	s29 =	simm.s32 $0x0;
	[sflag:s15] =	ssyncadd.s32 $0xFFFFC180  }
0x5f: {  	[tilespmem:s17], [sflag:$0x3] =	stream.linear.gather [hbm4b:s9+s29], $0x1400, $0x38;
	[tilespmem:$0x1E080] =	vst v63  }
0x60: {  	_ =	swait.ge [sflag:s15], $0x1400  }
0x61: {  	[sflag:s15] =	ssyncset.done $0x0  }
0x62: {  	[sflag:s15] =	ssyncadd.s32 $0xFFFFEC00  }
0x63: {  	[tilespmem:s18], [sflag:$0x3] =	stream.linear.gather [hbm4b:s10+s29], $0x1400, $0x38;
	[tilespmem:$0x1E080] =	vst v63  }
0x64: {  	_ =	swait.ge [sflag:s15], $0x1400  }
0x65: {  	[sflag:s15] =	ssyncset.done $0x0  }
0x66: {  	[sflag:s15] =	ssyncadd.s32 $0xFFFFEC00  }
0x67: {  	[tilespmem:s20], [sflag:$0x1] =	stream.indirect.gather [hbm4b:s1+s19], $0x80, s17, s19, $0xb8;
	[tilespmem:$0x1E080] =	vst v63  }
0x68: {  	_ =	swait.ge [sflag:s21], $0x3E80  }
0x69: {  	[sflag:s21] =	ssyncset.done $0x0  }
0x6a: {  	s29 =	simm.s32 $0x13900;
	[sflag:s21] =	ssyncadd.s32 $0xFFFFC180  }
0x6b: {  	[tilespmem:s22], [sflag:$0x2] =	stream.indirect.gather [hbm4b:s1+s19], $0x80, s29, s19, $0xb8;
	[tilespmem:$0x1E080] =	vst v63  }
0x6c: {  	s29 =	simm.s32 $0x14C80  }
0x6d: {  	[spmem:s3] =	stream.indirect.scatter.add.f32 [tilespmem:s20], [sflag:$0x3], $0x80, s29, s19, $0xb8;
	[tilespmem:$0x1E080] =	vst v63  }
0x6e: {  	_ =	swait.ge [sflag:s15], $0x3E80  }
0x6f: {  	[sflag:s15] =	ssyncset.done $0x0  }
0x70: {  	[sflag:s15] =	ssyncadd.s32 $0xFFFFC180  }
0x71: {  	_ =	swait.ge [sflag:s23], $0x3E80  }
0x72: {  	[sflag:s23] =	ssyncset.done $0x0  }
0x73: {  	s29 =	simm.s32 $0x13980;
	[sflag:s23] =	ssyncadd.s32 $0xFFFFC180  }
0x74: {  	[tilespmem:s20], [sflag:$0x1] =	stream.indirect.gather [hbm4b:s1+s19], $0x80, s29, s19, $0xb8;
	[tilespmem:$0x1E080] =	vst v63  }
0x75: {  	s29 =	simm.s32 $0x14D00  }
0x76: {  	[spmem:s3] =	stream.indirect.scatter.add.f32 [tilespmem:s22], [sflag:$0x3], $0x80, s29, s19, $0xb8;
	[tilespmem:$0x1E080] =	vst v63  }
0x77: {  	_ =	swait.ge [sflag:s15], $0x3E80  }
0x78: {  	s29 =	simm.s32 $0x400;
	[sflag:s15] =	ssyncset.done $0x0  }
.LBB2_4:
0x79: {  	p1 =	sne.s32 s29, $0x4800  }
0x7a: {  	[sflag:s15] =	ssyncadd.s32 $0xFFFFC180;
	s30 =	smov.u32 s29;
	s29 =	sadd.s32 $0x400, s29  }
0x7b: {  	_ = 	snop  }
0x7c: {  	_ =	swait.ge [sflag:s21], $0x3E80  }
0x7d: {  	s30 =	sshra.s32 s30, $0x2;
	[sflag:s21] =	ssyncset.done $0x0  }
0x7e: {  	s31 =	sadd.s32 $0x13900, s30;
	[sflag:s21] =	ssyncadd.s32 $0xFFFFC180  }
0x7f: {  	[tilespmem:s22], [sflag:$0x2] =	stream.indirect.gather [hbm4b:s1+s19], $0x80, s31, s19, $0xb8;
	[tilespmem:$0x1E080] =	vst v63  }
0x80: {  	s31 =	sadd.s32 $0x14C80, s30  }
0x81: {  	[spmem:s3] =	stream.indirect.scatter.add.f32 [tilespmem:s20], [sflag:$0x3], $0x80, s31, s19, $0xb8;
	[tilespmem:$0x1E080] =	vst v63  }
0x82: {  	_ =	swait.ge [sflag:s15], $0x3E80  }
0x83: {  	[sflag:s15] =	ssyncset.done $0x0  }
0x84: {  	[sflag:s15] =	ssyncadd.s32 $0xFFFFC180  }
0x85: {  	_ =	swait.ge [sflag:s23], $0x3E80  }
0x86: {  	[sflag:s23] =	ssyncset.done $0x0  }
0x87: {  	s31 =	sadd.s32 $0x13980, s30;
	[sflag:s23] =	ssyncadd.s32 $0xFFFFC180  }
0x88: {  	[tilespmem:s20], [sflag:$0x1] =	stream.indirect.gather [hbm4b:s1+s19], $0x80, s31, s19, $0xb8;
	[tilespmem:$0x1E080] =	vst v63  }
.Ltmp1:
0x89: {  	_ = 	snop;
	(pc) =	sbr.rel @p1 .LBB2_4-.Ltmp1, $4  }
0x8a: {  	s30 =	sadd.s32 $0x14D00, s30  }
0x8b: {  	[spmem:s3] =	stream.indirect.scatter.add.f32 [tilespmem:s22], [sflag:$0x3], $0x80, s30, s19, $0xb8;
	[tilespmem:$0x1E080] =	vst v63  }
0x8c: {  	_ =	swait.ge [sflag:s15], $0x3E80  }
0x8d: {  	[sflag:s15] =	ssyncset.done $0x0  }
0x8e: {  	[sflag:s15] =	ssyncadd.s32 $0xFFFFC180  }
0x8f: {  	_ =	swait.ge [sflag:s21], $0x3E80  }
0x90: {  	[sflag:s21] =	ssyncset.done $0x0  }
0x91: {  	[sflag:s21] =	ssyncadd.s32 $0xFFFFC180  }
0x92: {  	[tilespmem:s22], [sflag:$0x2] =	stream.indirect.gather [hbm4b:s1+s19], $0x80, s24, s19, $0xb8;
	[tilespmem:$0x1E080] =	vst v63  }
0x93: {  	_ = 	snop  }
0x94: {  	[spmem:s3] =	stream.indirect.scatter.add.f32 [tilespmem:s20], [sflag:$0x3], $0x80, s25, s19, $0xb8;
	[tilespmem:$0x1E080] =	vst v63  }
0x95: {  	_ =	swait.ge [sflag:s15], $0x3E80  }
0x96: {  	[sflag:s15] =	ssyncset.done $0x0  }
0x97: {  	[sflag:s15] =	ssyncadd.s32 $0xFFFFC180  }
0x98: {  	_ =	swait.ge [sflag:s23], $0x3E80  }
0x99: {  	[sflag:s23] =	ssyncset.done $0x0  }
0x9a: {  	[sflag:s23] =	ssyncadd.s32 $0xFFFFC180  }
0x9b: {  	[spmem:s3] =	stream.indirect.scatter.add.f32 [tilespmem:s22], [sflag:$0x3], $0x80, s26, s19, $0xb8;
	[tilespmem:$0x1E080] =	vst v63  }
0x9c: {  	_ =	swait.ge [sflag:s15], $0x3E80  }
0x9d: {  	[sflag:s15] =	ssyncset.done $0x0  }
0x9e: {  	[sflag:s15] =	ssyncadd.s32 $0xFFFFC180  }
0x9f: {  	[bflag:$0x0] =	sbarrier.arrive $0xFFFF  }
0xa0: {  	[hbm:s11], [sflag:s6] =	dma.local [spmem:s14], $0x2700  }
0xa1: {  	s28 =	sadd.s32 $0x1, s28;
	_ =	swait.ge [sflag:s15], $0x2700  }
0xa2: {  	p1 =	sne.s32 s28, s13;
	[sflag:s15] =	ssyncset.done $0x0  }
.Ltmp2:
0xa3: {  	s29 =	simm.s32 @!p0 $0x3;
	[sflag:s15] =	ssyncadd.s32 $0xFFFFD900;
	(pc) =	sbr.rel @p1 .LBB2_1-.Ltmp2, $4  }
0xa4: {  	[hbm:s12], [sflag:s6] =	dma.local @!p0 [spmem:s16], $0x100  }
0xa5: {  	_ =	swait.ge @!p0 [sflag:s29], $0x100  }
0xa6: {  	[sflag:s29] =	ssyncset.done @!p0 $0x0  }
0xa7: {  	[sflag:s29] =	ssyncadd.s32 @!p0 $0xFFFFFF00  }
0xa8: {  	_ =	sfence.sel $0x180000  }
0xa9: {  	[bflag:$0x0] =	sbarrier.arrive $0xFFFF  }
0xaa: {  	p0 =	sne.s32 s0, $0x0;
	_ =	strace $0x9000004A  }
0xab: {  	s0 =	sadd.s32 @!p0 $0x100000, s2;
	[bflag:$0x2] =	sbarrier.arrive $0xFFFF  }
0xac: {  	[sflag:s0] =	ssyncadd.tile.s32 @!p0 $0x1;
	_ =	shalt  }
.Lfunc_end2:
_tile_overlayer_lowered:
.L_overlay_start_2:
0xad: {  	(tag) =	ssettag $0x2  }
0xae: {  	s0 =	rddreg [dreg:$0x0];
	s2 =	stileid.u32  }
0xaf: {  	s1 =	rddreg [dreg:$0x1];
	p0 =	sne.s32 s2, $0x0  }
0xb0: {  	s3 =	rddreg [dreg:$0x2];
	[bflag:$0x3] =	sbarrier.arrive $0xFFFF;
	s2 =	simm.s32 @!p0 $0x1C03  }
0xb1: {  	[timem:s3], [sflag:s2] =	dma.local @!p0 [hbm:s0], s1  }
0xb2: {  	s0 =	simm.s32 @!p0 $0x3  }
0xb3: {  	_ =	swait.ge @!p0 [sflag:s0], s1  }
0xb4: {  	s1 =	ssub.s32 @!p0 $0x0, s1;
	[sflag:s0] =	ssyncset.done @!p0 $0x0  }
0xb5: {  	[sflag:s0] =	ssyncadd.s32 @!p0 s1  }
0xb6: {  	[bflag:$0x3] =	sbarrier.arrive $0xFFFF  }
0xb7: {  	_ =	shalt  }

</sc_bundles>
